<compile_context>
chip_gen: v7x
topology: tpu7x:2x2x1
jax: 0.10.2.dev20260603
libtpu: 0.0.44.dev20260713+nightly
codegen_flags: <defaults>
</compile_context>

<pallas_src>
import jax
import jax.numpy as jnp
from jax import lax
from jax.experimental import pallas as pl
from jax.experimental.pallas import tpu as pltpu
from jax.experimental.pallas import tpu_sc as plsc

B = 4096
H = 50
D = 64
NC = 2
NS = 16
NW = NC * NS
BW = B // NW
L = 16
NG = BW // L
NV = D // L


def _body(user_hbm, item_hbm, kwt_hbm, uemb_hbm, iemb_hbm, kemb_hbm, out_hbm,
          uidx, iidx, kidxt, urows, irows, acc, kw0, nzf, rcpf, outv, sem):
  cid = lax.axis_index("c")
  sid = lax.axis_index("s")
  wid = sid * NC + cid
  base = wid * BW

  pltpu.sync_copy(user_hbm.at[pl.ds(base, BW)], uidx)
  pltpu.sync_copy(item_hbm.at[pl.ds(base, BW)], iidx)
  pltpu.sync_copy(kwt_hbm.at[:, pl.ds(base, BW)], kidxt)

  cp_u = pltpu.async_copy(uemb_hbm.at[uidx], urows, sem)
  cp_i = pltpu.async_copy(iemb_hbm.at[iidx], irows, sem)
  cp_k0 = pltpu.async_copy(kemb_hbm.at[kidxt.at[0]], acc, sem)
  pltpu.sync_copy(kemb_hbm.at[0], kw0)

  for g in range(NG):
    def cnt_body(j, a, _g=g):
      ids = kidxt[j, pl.ds(_g * L, L)]
      return a + jnp.where(ids == 0, 1.0, 0.0)
    nz = lax.fori_loop(0, H, cnt_body, jnp.zeros((L,), jnp.float32))
    nzf[pl.ds(g * L, L)] = nz
    rcpf[pl.ds(g * L, L)] = 1.0 / jnp.maximum(jnp.float32(H) - nz, 1.0)

  cp_u.wait()
  cp_i.wait()
  cp_k0.wait()

  def fire(j, c):
    pltpu.async_copy(kemb_hbm.at[kidxt.at[j]], acc, sem,
                     add=True)
    return c
  lax.fori_loop(1, H, fire, 0)

  def drain(j, c):
    pltpu.make_async_copy(kemb_hbm.at[kidxt.at[j]], acc,
                          sem).wait()
    return c
  lax.fori_loop(1, H, drain, 0)

  lane = lax.iota(jnp.int32, L)
  last = lane == (L - 1)

  def fin(e, c):
    ev = jnp.full((L,), e, jnp.int32)
    nzv = plsc.load_gather(nzf, [ev])
    rcpv = plsc.load_gather(rcpf, [ev])
    s = jnp.zeros((L,), jnp.float32)
    for v in range(NV):
      sl = pl.ds(v * L, L)
      ic = (acc[e, sl] - nzv * kw0[sl]) * rcpv
      s = s + urows[e, sl] * (irows[e, sl] + ic)
    cs = plsc.cumsum(s)
    plsc.store_scatter(outv, [ev], cs, mask=last)
    return c

  lax.fori_loop(0, BW, fin, 0)

  pltpu.sync_copy(outv, out_hbm.at[pl.ds(base, BW)])


_sc_call = pl.kernel(
    _body,
    out_type=jax.ShapeDtypeStruct((B,), jnp.float32),
    mesh=plsc.VectorSubcoreMesh(core_axis_name="c", subcore_axis_name="s"),
    scratch_types=[
        pltpu.VMEM((BW,), jnp.int32),
        pltpu.VMEM((BW,), jnp.int32),
        pltpu.VMEM((H, BW), jnp.int32),
        pltpu.VMEM((BW, D), jnp.float32),
        pltpu.VMEM((BW, D), jnp.float32),
        pltpu.VMEM((BW, D), jnp.float32),
        pltpu.VMEM((D,), jnp.float32),
        pltpu.VMEM((BW,), jnp.float32),
        pltpu.VMEM((BW,), jnp.float32),
        pltpu.VMEM((BW,), jnp.float32),
        pltpu.SemaphoreType.DMA,
    ],
    compiler_params=pltpu.CompilerParams(
        needs_layout_passes=False, use_tc_tiling_on_sc=False),
)


@jax.jit
def kernel(user, item, keyword_ids, user_emb, item_id_emb, keyword_emb):
  kw_t = keyword_ids.astype(jnp.int32).T
  return _sc_call(user.astype(jnp.int32), item.astype(jnp.int32), kw_t,
                  user_emb, item_id_emb, keyword_emb)

# --- scband reference (transcript-rebuilt; emitter-appended) ---
"""Pipeline reference for scband-content-aware-mf-23673859736038 (READ-ONLY COPY).

The authoritative reference and input builder live on the scoring server;
editing this copy changes nothing except your own understanding.
"""

import jax, jax.numpy as jnp
import numpy as np

NUM_USERS = 100000
NUM_ITEMS = 100000
NUM_KEYWORDS = 100000
EMBED_DIM = 64
BATCH = 4096
HIST = 50

def _xavier(key, shape):
    fan_in, fan_out = shape[0], shape[1]
    a = float(np.sqrt(6.0 / (fan_in + fan_out)))
    return jax.random.uniform(key, shape, dtype=jnp.float32, minval=-a, maxval=a)

def setup_inputs(seed: int = 0) -> dict:
    key = jax.random.key(seed)
    k1, k2, k3, k4, k5, k6 = jax.random.split(key, 6)
    user = jax.random.randint(k1, (BATCH,), 0, NUM_USERS, dtype=jnp.int64 if jax.config.jax_enable_x64 else jnp.int32)
    item = jax.random.randint(k2, (BATCH,), 0, NUM_ITEMS, dtype=jnp.int64 if jax.config.jax_enable_x64 else jnp.int32)
    keyword_ids = jax.random.randint(k3, (BATCH, HIST), 0, NUM_KEYWORDS, dtype=jnp.int64 if jax.config.jax_enable_x64 else jnp.int32)
    user_emb = _xavier(k4, (NUM_USERS, EMBED_DIM))
    item_id_emb = _xavier(k5, (NUM_ITEMS, EMBED_DIM))
    keyword_emb = _xavier(k6, (NUM_KEYWORDS, EMBED_DIM))
    return {"user": user, "item": item, "keyword_ids": keyword_ids,
            "user_emb": user_emb, "item_id_emb": item_id_emb, "keyword_emb": keyword_emb}

def reference(user, item, keyword_ids, user_emb, item_id_emb, keyword_emb):
    # u = self.user_emb(user)
    u = jnp.take(user_emb, user, axis=0)
    # i_id = self.item_id_emb(item)
    i_id = jnp.take(item_id_emb, item, axis=0)
    # i_content = self.keyword_emb(keyword_ids)  -- EmbeddingBag(mode='mean', padding_idx=0)
    # padding_idx=0 entries are excluded from the mean; empty bags yield 0.
    mask = (keyword_ids != 0)
    kw = jnp.take(keyword_emb, keyword_ids, axis=0)  # [B, L, D]
    kw = kw * mask[..., None].astype(kw.dtype)
    cnt = mask.sum(axis=1).astype(kw.dtype)  # [B]
    i_content = kw.sum(axis=1) / jnp.maximum(cnt, 1.0)[:, None]
    return (u * (i_id + i_content)).sum(axis=1)

if __name__ == "__main__":
    import jax
    _d = setup_inputs()
    print(jax.jit(kernel)(*tuple(_d.values())))

</pallas_src>

<mosaic_0001>
#map = affine_map<(d0, d1) -> (0)>
#map1 = affine_map<(d0, d1) -> (0, 0)>
module attributes {stable_mosaic.version = 14 : i64} {
  func.func @_body(%arg0: i32, %arg1: i32, %arg2: memref<4096xi32, #tpu.memory_space<hbm>>, %arg3: memref<4096xi32, #tpu.memory_space<hbm>>, %arg4: memref<50x4096xi32, #tpu.memory_space<hbm>>, %arg5: memref<100000x64xf32, #tpu.memory_space<hbm>>, %arg6: memref<100000x64xf32, #tpu.memory_space<hbm>>, %arg7: memref<100000x64xf32, #tpu.memory_space<hbm>>, %arg8: memref<4096xf32, #tpu.memory_space<hbm>>, %arg9: memref<128xi32, #tpu.memory_space<vmem>>, %arg10: memref<128xi32, #tpu.memory_space<vmem>>, %arg11: memref<50x128xi32, #tpu.memory_space<vmem>>, %arg12: memref<128x64xf32, #tpu.memory_space<vmem>>, %arg13: memref<128x64xf32, #tpu.memory_space<vmem>>, %arg14: memref<128x64xf32, #tpu.memory_space<vmem>>, %arg15: memref<64xf32, #tpu.memory_space<vmem>>, %arg16: memref<128xf32, #tpu.memory_space<vmem>>, %arg17: memref<128xf32, #tpu.memory_space<vmem>>, %arg18: memref<128xf32, #tpu.memory_space<vmem>>, %arg19: memref<!tpu.dma_semaphore, #tpu.memory_space<semaphore_mem>>) attributes {dimension_semantics = [#tpu.dimension_semantics<core_parallel>, #tpu.dimension_semantics<subcore_parallel>], iteration_bounds = array<i64: 2, 16>, scalar_prefetch = 0 : i64, scratch_operands = 11 : i64, tpu.core_type = #tpu.core_type<sc_vector_subcore>, window_params = [{transform_indices = #map}, {transform_indices = #map}, {transform_indices = #map1}, {transform_indices = #map1}, {transform_indices = #map1}, {transform_indices = #map1}, {transform_indices = #map}]} {
    %mul3A = arith.constant 2 : i32
    %mul3A_0 = arith.muli %arg1, %mul3A : i32
    %add3A = arith.addi %mul3A_0, %arg0 : i32
    %mul3A_1 = arith.constant 128 : i32
    %mul3A_2 = arith.muli %add3A, %mul3A_1 : i32
    "tpu.region"() ({
      %run_scoped3A_209 = tpu.sem_alloc : memref<!tpu.dma_semaphore, #tpu.memory_space<semaphore_mem>>
      %dma_start3A_210 = tpu.memref_slice %arg2[%mul3A_2] : memref<4096xi32, #tpu.memory_space<hbm>> -> memref<128xi32, #tpu.memory_space<hbm>>
      %dma_start3A_211 = tpu.memref_slice %arg2[%mul3A_2] : memref<4096xi32, #tpu.memory_space<hbm>> -> memref<128xi32, #tpu.memory_space<hbm>>
      tpu.enqueue_dma source(%dma_start3A_211 : memref<128xi32, #tpu.memory_space<hbm>>) target(%arg9 : memref<128xi32, #tpu.memory_space<vmem>>) target_semaphore(%run_scoped3A_209 : memref<!tpu.dma_semaphore, #tpu.memory_space<semaphore_mem>>)
      %dma_wait3A_212 = tpu.memref_slice %arg2[%mul3A_2] : memref<4096xi32, #tpu.memory_space<hbm>> -> memref<128xi32, #tpu.memory_space<hbm>>
      %dma_wait3A_213 = tpu.memref_slice %arg2[%mul3A_2] : memref<4096xi32, #tpu.memory_space<hbm>> -> memref<128xi32, #tpu.memory_space<hbm>>
      tpu.wait_dma2 semaphore(%run_scoped3A_209 : memref<!tpu.dma_semaphore, #tpu.memory_space<semaphore_mem>>) src(%dma_wait3A_213 : memref<128xi32, #tpu.memory_space<hbm>>) dst(%arg9 : memref<128xi32, #tpu.memory_space<vmem>>)
      tpu.yield
    }) : () -> ()
    "tpu.region"() ({
      %run_scoped3A_209 = tpu.sem_alloc : memref<!tpu.dma_semaphore, #tpu.memory_space<semaphore_mem>>
      %dma_start3A_210 = tpu.memref_slice %arg3[%mul3A_2] : memref<4096xi32, #tpu.memory_space<hbm>> -> memref<128xi32, #tpu.memory_space<hbm>>
      %dma_start3A_211 = tpu.memref_slice %arg3[%mul3A_2] : memref<4096xi32, #tpu.memory_space<hbm>> -> memref<128xi32, #tpu.memory_space<hbm>>
      tpu.enqueue_dma source(%dma_start3A_211 : memref<128xi32, #tpu.memory_space<hbm>>) target(%arg10 : memref<128xi32, #tpu.memory_space<vmem>>) target_semaphore(%run_scoped3A_209 : memref<!tpu.dma_semaphore, #tpu.memory_space<semaphore_mem>>)
      %dma_wait3A_212 = tpu.memref_slice %arg3[%mul3A_2] : memref<4096xi32, #tpu.memory_space<hbm>> -> memref<128xi32, #tpu.memory_space<hbm>>
      %dma_wait3A_213 = tpu.memref_slice %arg3[%mul3A_2] : memref<4096xi32, #tpu.memory_space<hbm>> -> memref<128xi32, #tpu.memory_space<hbm>>
      tpu.wait_dma2 semaphore(%run_scoped3A_209 : memref<!tpu.dma_semaphore, #tpu.memory_space<semaphore_mem>>) src(%dma_wait3A_213 : memref<128xi32, #tpu.memory_space<hbm>>) dst(%arg10 : memref<128xi32, #tpu.memory_space<vmem>>)
      tpu.yield
    }) : () -> ()
    "tpu.region"() ({
      %run_scoped3A_209 = tpu.sem_alloc : memref<!tpu.dma_semaphore, #tpu.memory_space<semaphore_mem>>
      %dma_start3A_210 = arith.constant 0 : i32
      %dma_start3A_211 = tpu.memref_slice %arg4[%dma_start3A_210, %mul3A_2] : memref<50x4096xi32, #tpu.memory_space<hbm>> -> memref<50x128xi32, #tpu.memory_space<hbm>>
      %dma_start3A_212 = arith.constant 0 : i32
      %dma_start3A_213 = tpu.memref_slice %arg4[%dma_start3A_212, %mul3A_2] : memref<50x4096xi32, #tpu.memory_space<hbm>> -> memref<50x128xi32, #tpu.memory_space<hbm>>
      tpu.enqueue_dma source(%dma_start3A_213 : memref<50x128xi32, #tpu.memory_space<hbm>>) target(%arg11 : memref<50x128xi32, #tpu.memory_space<vmem>>) target_semaphore(%run_scoped3A_209 : memref<!tpu.dma_semaphore, #tpu.memory_space<semaphore_mem>>)
      %dma_wait3A_214 = arith.constant 0 : i32
      %dma_wait3A_215 = tpu.memref_slice %arg4[%dma_wait3A_214, %mul3A_2] : memref<50x4096xi32, #tpu.memory_space<hbm>> -> memref<50x128xi32, #tpu.memory_space<hbm>>
      %dma_wait3A_216 = arith.constant 0 : i32
      %dma_wait3A_217 = tpu.memref_slice %arg4[%dma_wait3A_216, %mul3A_2] : memref<50x4096xi32, #tpu.memory_space<hbm>> -> memref<50x128xi32, #tpu.memory_space<hbm>>
      tpu.wait_dma2 semaphore(%run_scoped3A_209 : memref<!tpu.dma_semaphore, #tpu.memory_space<semaphore_mem>>) src(%dma_wait3A_217 : memref<50x128xi32, #tpu.memory_space<hbm>>) dst(%arg11 : memref<50x128xi32, #tpu.memory_space<vmem>>)
      tpu.yield
    }) : () -> ()
    %dma_start3A = arith.constant 0 : i32
    %dma_start3A_3 = arith.constant 0 : i32
    %dma_start3A_4 = tpu.memref_slice %arg5[%dma_start3A, %dma_start3A_3] : memref<100000x64xf32, #tpu.memory_space<hbm>> -> memref<100000x64xf32, #tpu.memory_space<hbm>>
    tpu.enqueue_indirect_dma source(%dma_start3A_4 : memref<100000x64xf32, #tpu.memory_space<hbm>>) target(%arg12 : memref<128x64xf32, #tpu.memory_space<vmem>>) offsets(%arg9 : memref<128xi32, #tpu.memory_space<vmem>>) semaphore(%arg19 : memref<!tpu.dma_semaphore, #tpu.memory_space<semaphore_mem>>)
    %dma_start3A_5 = arith.constant 0 : i32
    %dma_start3A_6 = arith.constant 0 : i32
    %dma_start3A_7 = tpu.memref_slice %arg6[%dma_start3A_5, %dma_start3A_6] : memref<100000x64xf32, #tpu.memory_space<hbm>> -> memref<100000x64xf32, #tpu.memory_space<hbm>>
    tpu.enqueue_indirect_dma source(%dma_start3A_7 : memref<100000x64xf32, #tpu.memory_space<hbm>>) target(%arg13 : memref<128x64xf32, #tpu.memory_space<vmem>>) offsets(%arg10 : memref<128xi32, #tpu.memory_space<vmem>>) semaphore(%arg19 : memref<!tpu.dma_semaphore, #tpu.memory_space<semaphore_mem>>)
    %dma_start3A_8 = arith.constant 0 : i32
    %dma_start3A_9 = arith.constant 0 : i32
    %dma_start3A_10 = tpu.memref_slice %arg11[%dma_start3A_8, %dma_start3A_9] : memref<50x128xi32, #tpu.memory_space<vmem>> -> memref<1x128xi32, #tpu.memory_space<vmem>>
    %dma_start3A_11 = tpu.memref_squeeze %dma_start3A_10 : memref<1x128xi32, #tpu.memory_space<vmem>> -> memref<128xi32, #tpu.memory_space<vmem>>
    %dma_start3A_12 = arith.constant 0 : i32
    %dma_start3A_13 = arith.constant 0 : i32
    %dma_start3A_14 = tpu.memref_slice %arg7[%dma_start3A_12, %dma_start3A_13] : memref<100000x64xf32, #tpu.memory_space<hbm>> -> memref<100000x64xf32, #tpu.memory_space<hbm>>
    tpu.enqueue_indirect_dma source(%dma_start3A_14 : memref<100000x64xf32, #tpu.memory_space<hbm>>) target(%arg14 : memref<128x64xf32, #tpu.memory_space<vmem>>) offsets(%dma_start3A_11 : memref<128xi32, #tpu.memory_space<vmem>>) semaphore(%arg19 : memref<!tpu.dma_semaphore, #tpu.memory_space<semaphore_mem>>)
    %run_scoped3A = arith.constant 0 : i32
    "tpu.region"() ({
      %run_scoped3A_209 = tpu.sem_alloc : memref<!tpu.dma_semaphore, #tpu.memory_space<semaphore_mem>>
      %dma_start3A_210 = arith.constant 0 : i32
      %dma_start3A_211 = tpu.memref_slice %arg7[%run_scoped3A, %dma_start3A_210] : memref<100000x64xf32, #tpu.memory_space<hbm>> -> memref<1x64xf32, #tpu.memory_space<hbm>>
      %dma_start3A_212 = tpu.memref_squeeze %dma_start3A_211 : memref<1x64xf32, #tpu.memory_space<hbm>> -> memref<64xf32, #tpu.memory_space<hbm>>
      %dma_start3A_213 = arith.constant 0 : i32
      %dma_start3A_214 = tpu.memref_slice %arg7[%run_scoped3A, %dma_start3A_213] : memref<100000x64xf32, #tpu.memory_space<hbm>> -> memref<1x64xf32, #tpu.memory_space<hbm>>
      %dma_start3A_215 = tpu.memref_squeeze %dma_start3A_214 : memref<1x64xf32, #tpu.memory_space<hbm>> -> memref<64xf32, #tpu.memory_space<hbm>>
      tpu.enqueue_dma source(%dma_start3A_215 : memref<64xf32, #tpu.memory_space<hbm>>) target(%arg15 : memref<64xf32, #tpu.memory_space<vmem>>) target_semaphore(%run_scoped3A_209 : memref<!tpu.dma_semaphore, #tpu.memory_space<semaphore_mem>>)
      %dma_wait3A_216 = arith.constant 0 : i32
      %dma_wait3A_217 = tpu.memref_slice %arg7[%run_scoped3A, %dma_wait3A_216] : memref<100000x64xf32, #tpu.memory_space<hbm>> -> memref<1x64xf32, #tpu.memory_space<hbm>>
      %dma_wait3A_218 = tpu.memref_squeeze %dma_wait3A_217 : memref<1x64xf32, #tpu.memory_space<hbm>> -> memref<64xf32, #tpu.memory_space<hbm>>
      %dma_wait3A_219 = arith.constant 0 : i32
      %dma_wait3A_220 = tpu.memref_slice %arg7[%run_scoped3A, %dma_wait3A_219] : memref<100000x64xf32, #tpu.memory_space<hbm>> -> memref<1x64xf32, #tpu.memory_space<hbm>>
      %dma_wait3A_221 = tpu.memref_squeeze %dma_wait3A_220 : memref<1x64xf32, #tpu.memory_space<hbm>> -> memref<64xf32, #tpu.memory_space<hbm>>
      tpu.wait_dma2 semaphore(%run_scoped3A_209 : memref<!tpu.dma_semaphore, #tpu.memory_space<semaphore_mem>>) src(%dma_wait3A_221 : memref<64xf32, #tpu.memory_space<hbm>>) dst(%arg15 : memref<64xf32, #tpu.memory_space<vmem>>)
      tpu.yield
    }) : () -> ()
    %broadcast_in_dim3A = arith.constant 0.000000e+00 : f32
    %broadcast_in_dim3A_15 = vector.broadcast %broadcast_in_dim3A : f32 to vector<16xf32>
    %scan3A = arith.constant 0 : i32
    %scan3A_16 = arith.constant 50 : i32
    %scan3A_17 = arith.addi %scan3A, %scan3A_16 : i32
    %scan3A_18 = arith.constant 1 : i32
    %scan3A_19 = scf.for %scan3A_209 = %scan3A to %scan3A_17 step %scan3A_18 iter_args(%scan3A_210 = %broadcast_in_dim3A_15) -> (vector<16xf32>)  : i32 {
      %get3A = arith.index_cast %scan3A_209 : i32 to index
      %get3A_211 = arith.constant 0 : index
      %get3A_212 = tpu.vector_load %arg11[%get3A, %get3A_211] {strides = array<i32>} : memref<50x128xi32, #tpu.memory_space<vmem>>, vector<16xi32>,
      %eq3A_213 = arith.constant 0 : i32
      %eq3A_214 = vector.broadcast %eq3A_213 : i32 to vector<16xi32>
      %eq3A_215 = arith.cmpi eq, %get3A_212, %eq3A_214 : vector<16xi32>
      %jit3A = arith.constant 1.000000e+00 : f32
      %jit3A_216 = arith.constant 0.000000e+00 : f32
      %broadcast_in_dim3A_217 = vector.broadcast %jit3A : f32 to vector<16xf32>
      %broadcast_in_dim3A_218 = vector.broadcast %jit3A_216 : f32 to vector<16xf32>
      %select_n3A = arith.select %eq3A_215, %broadcast_in_dim3A_217, %broadcast_in_dim3A_218 : vector<16xi1>, vector<16xf32>
      %add3A_219 = arith.addf %scan3A_210, %select_n3A : vector<16xf32>
      scf.yield %add3A_219 : vector<16xf32>
    }
    %scan3A_20 = arith.constant 50 : i32
    %swap3A = arith.constant 0 : index
    %swap3A_21 = tpu.vector_load %arg16[%swap3A] {strides = array<i32>} : memref<128xf32, #tpu.memory_space<vmem>>, vector<16xf32>,
    tpu.vector_store %arg16[%swap3A], %scan3A_19 {strides = array<i32>} : memref<128xf32, #tpu.memory_space<vmem>>, vector<16xf32>,
    %sub3A = arith.constant 5.000000e+01 : f32
    %sub3A_22 = vector.broadcast %sub3A : f32 to vector<16xf32>
    %sub3A_23 = arith.subf %sub3A_22, %scan3A_19 : vector<16xf32>
    %max3A = arith.constant 1.000000e+00 : f32
    %max3A_24 = vector.broadcast %max3A : f32 to vector<16xf32>
    %max3A_25 = arith.maximumf %sub3A_23, %max3A_24 : vector<16xf32>
    %div3A = arith.constant 1.000000e+00 : f32
    %div3A_26 = vector.broadcast %div3A : f32 to vector<16xf32>
    %div3A_27 = arith.divf %div3A_26, %max3A_25 : vector<16xf32>
    %swap3A_28 = arith.constant 0 : index
    %swap3A_29 = tpu.vector_load %arg17[%swap3A_28] {strides = array<i32>} : memref<128xf32, #tpu.memory_space<vmem>>, vector<16xf32>,
    tpu.vector_store %arg17[%swap3A_28], %div3A_27 {strides = array<i32>} : memref<128xf32, #tpu.memory_space<vmem>>, vector<16xf32>,
    %broadcast_in_dim3A_30 = arith.constant 0.000000e+00 : f32
    %broadcast_in_dim3A_31 = vector.broadcast %broadcast_in_dim3A_30 : f32 to vector<16xf32>
    %scan3A_32 = arith.constant 0 : i32
    %scan3A_33 = arith.constant 50 : i32
    %scan3A_34 = arith.addi %scan3A_32, %scan3A_33 : i32
    %scan3A_35 = arith.constant 1 : i32
    %scan3A_36 = scf.for %scan3A_209 = %scan3A_32 to %scan3A_34 step %scan3A_35 iter_args(%scan3A_210 = %broadcast_in_dim3A_31) -> (vector<16xf32>)  : i32 {
      %get3A = arith.index_cast %scan3A_209 : i32 to index
      %get3A_211 = arith.constant 16 : index
      %get3A_212 = tpu.vector_load %arg11[%get3A, %get3A_211] {strides = array<i32>} : memref<50x128xi32, #tpu.memory_space<vmem>>, vector<16xi32>,
      %eq3A_213 = arith.constant 0 : i32
      %eq3A_214 = vector.broadcast %eq3A_213 : i32 to vector<16xi32>
      %eq3A_215 = arith.cmpi eq, %get3A_212, %eq3A_214 : vector<16xi32>
      %jit3A = arith.constant 1.000000e+00 : f32
      %jit3A_216 = arith.constant 0.000000e+00 : f32
      %broadcast_in_dim3A_217 = vector.broadcast %jit3A : f32 to vector<16xf32>
      %broadcast_in_dim3A_218 = vector.broadcast %jit3A_216 : f32 to vector<16xf32>
      %select_n3A = arith.select %eq3A_215, %broadcast_in_dim3A_217, %broadcast_in_dim3A_218 : vector<16xi1>, vector<16xf32>
      %add3A_219 = arith.addf %scan3A_210, %select_n3A : vector<16xf32>
      scf.yield %add3A_219 : vector<16xf32>
    }
    %scan3A_37 = arith.constant 50 : i32
    %swap3A_38 = arith.constant 16 : index
    %swap3A_39 = tpu.vector_load %arg16[%swap3A_38] {strides = array<i32>} : memref<128xf32, #tpu.memory_space<vmem>>, vector<16xf32>,
    tpu.vector_store %arg16[%swap3A_38], %scan3A_36 {strides = array<i32>} : memref<128xf32, #tpu.memory_space<vmem>>, vector<16xf32>,
    %sub3A_40 = arith.constant 5.000000e+01 : f32
    %sub3A_41 = vector.broadcast %sub3A_40 : f32 to vector<16xf32>
    %sub3A_42 = arith.subf %sub3A_41, %scan3A_36 : vector<16xf32>
    %max3A_43 = arith.constant 1.000000e+00 : f32
    %max3A_44 = vector.broadcast %max3A_43 : f32 to vector<16xf32>
    %max3A_45 = arith.maximumf %sub3A_42, %max3A_44 : vector<16xf32>
    %div3A_46 = arith.constant 1.000000e+00 : f32
    %div3A_47 = vector.broadcast %div3A_46 : f32 to vector<16xf32>
    %div3A_48 = arith.divf %div3A_47, %max3A_45 : vector<16xf32>
    %swap3A_49 = arith.constant 16 : index
    %swap3A_50 = tpu.vector_load %arg17[%swap3A_49] {strides = array<i32>} : memref<128xf32, #tpu.memory_space<vmem>>, vector<16xf32>,
    tpu.vector_store %arg17[%swap3A_49], %div3A_48 {strides = array<i32>} : memref<128xf32, #tpu.memory_space<vmem>>, vector<16xf32>,
    %broadcast_in_dim3A_51 = arith.constant 0.000000e+00 : f32
    %broadcast_in_dim3A_52 = vector.broadcast %broadcast_in_dim3A_51 : f32 to vector<16xf32>
    %scan3A_53 = arith.constant 0 : i32
    %scan3A_54 = arith.constant 50 : i32
    %scan3A_55 = arith.addi %scan3A_53, %scan3A_54 : i32
    %scan3A_56 = arith.constant 1 : i32
    %scan3A_57 = scf.for %scan3A_209 = %scan3A_53 to %scan3A_55 step %scan3A_56 iter_args(%scan3A_210 = %broadcast_in_dim3A_52) -> (vector<16xf32>)  : i32 {
      %get3A = arith.index_cast %scan3A_209 : i32 to index
      %get3A_211 = arith.constant 32 : index
      %get3A_212 = tpu.vector_load %arg11[%get3A, %get3A_211] {strides = array<i32>} : memref<50x128xi32, #tpu.memory_space<vmem>>, vector<16xi32>,
      %eq3A_213 = arith.constant 0 : i32
      %eq3A_214 = vector.broadcast %eq3A_213 : i32 to vector<16xi32>
      %eq3A_215 = arith.cmpi eq, %get3A_212, %eq3A_214 : vector<16xi32>
      %jit3A = arith.constant 1.000000e+00 : f32
      %jit3A_216 = arith.constant 0.000000e+00 : f32
      %broadcast_in_dim3A_217 = vector.broadcast %jit3A : f32 to vector<16xf32>
      %broadcast_in_dim3A_218 = vector.broadcast %jit3A_216 : f32 to vector<16xf32>
      %select_n3A = arith.select %eq3A_215, %broadcast_in_dim3A_217, %broadcast_in_dim3A_218 : vector<16xi1>, vector<16xf32>
      %add3A_219 = arith.addf %scan3A_210, %select_n3A : vector<16xf32>
      scf.yield %add3A_219 : vector<16xf32>
    }
    %scan3A_58 = arith.constant 50 : i32
    %swap3A_59 = arith.constant 32 : index
    %swap3A_60 = tpu.vector_load %arg16[%swap3A_59] {strides = array<i32>} : memref<128xf32, #tpu.memory_space<vmem>>, vector<16xf32>,
    tpu.vector_store %arg16[%swap3A_59], %scan3A_57 {strides = array<i32>} : memref<128xf32, #tpu.memory_space<vmem>>, vector<16xf32>,
    %sub3A_61 = arith.constant 5.000000e+01 : f32
    %sub3A_62 = vector.broadcast %sub3A_61 : f32 to vector<16xf32>
    %sub3A_63 = arith.subf %sub3A_62, %scan3A_57 : vector<16xf32>
    %max3A_64 = arith.constant 1.000000e+00 : f32
    %max3A_65 = vector.broadcast %max3A_64 : f32 to vector<16xf32>
    %max3A_66 = arith.maximumf %sub3A_63, %max3A_65 : vector<16xf32>
    %div3A_67 = arith.constant 1.000000e+00 : f32
    %div3A_68 = vector.broadcast %div3A_67 : f32 to vector<16xf32>
    %div3A_69 = arith.divf %div3A_68, %max3A_66 : vector<16xf32>
    %swap3A_70 = arith.constant 32 : index
    %swap3A_71 = tpu.vector_load %arg17[%swap3A_70] {strides = array<i32>} : memref<128xf32, #tpu.memory_space<vmem>>, vector<16xf32>,
    tpu.vector_store %arg17[%swap3A_70], %div3A_69 {strides = array<i32>} : memref<128xf32, #tpu.memory_space<vmem>>, vector<16xf32>,
    %broadcast_in_dim3A_72 = arith.constant 0.000000e+00 : f32
    %broadcast_in_dim3A_73 = vector.broadcast %broadcast_in_dim3A_72 : f32 to vector<16xf32>
    %scan3A_74 = arith.constant 0 : i32
    %scan3A_75 = arith.constant 50 : i32
    %scan3A_76 = arith.addi %scan3A_74, %scan3A_75 : i32
    %scan3A_77 = arith.constant 1 : i32
    %scan3A_78 = scf.for %scan3A_209 = %scan3A_74 to %scan3A_76 step %scan3A_77 iter_args(%scan3A_210 = %broadcast_in_dim3A_73) -> (vector<16xf32>)  : i32 {
      %get3A = arith.index_cast %scan3A_209 : i32 to index
      %get3A_211 = arith.constant 48 : index
      %get3A_212 = tpu.vector_load %arg11[%get3A, %get3A_211] {strides = array<i32>} : memref<50x128xi32, #tpu.memory_space<vmem>>, vector<16xi32>,
      %eq3A_213 = arith.constant 0 : i32
      %eq3A_214 = vector.broadcast %eq3A_213 : i32 to vector<16xi32>
      %eq3A_215 = arith.cmpi eq, %get3A_212, %eq3A_214 : vector<16xi32>
      %jit3A = arith.constant 1.000000e+00 : f32
      %jit3A_216 = arith.constant 0.000000e+00 : f32
      %broadcast_in_dim3A_217 = vector.broadcast %jit3A : f32 to vector<16xf32>
      %broadcast_in_dim3A_218 = vector.broadcast %jit3A_216 : f32 to vector<16xf32>
      %select_n3A = arith.select %eq3A_215, %broadcast_in_dim3A_217, %broadcast_in_dim3A_218 : vector<16xi1>, vector<16xf32>
      %add3A_219 = arith.addf %scan3A_210, %select_n3A : vector<16xf32>
      scf.yield %add3A_219 : vector<16xf32>
    }
    %scan3A_79 = arith.constant 50 : i32
    %swap3A_80 = arith.constant 48 : index
    %swap3A_81 = tpu.vector_load %arg16[%swap3A_80] {strides = array<i32>} : memref<128xf32, #tpu.memory_space<vmem>>, vector<16xf32>,
    tpu.vector_store %arg16[%swap3A_80], %scan3A_78 {strides = array<i32>} : memref<128xf32, #tpu.memory_space<vmem>>, vector<16xf32>,
    %sub3A_82 = arith.constant 5.000000e+01 : f32
    %sub3A_83 = vector.broadcast %sub3A_82 : f32 to vector<16xf32>
    %sub3A_84 = arith.subf %sub3A_83, %scan3A_78 : vector<16xf32>
    %max3A_85 = arith.constant 1.000000e+00 : f32
    %max3A_86 = vector.broadcast %max3A_85 : f32 to vector<16xf32>
    %max3A_87 = arith.maximumf %sub3A_84, %max3A_86 : vector<16xf32>
    %div3A_88 = arith.constant 1.000000e+00 : f32
    %div3A_89 = vector.broadcast %div3A_88 : f32 to vector<16xf32>
    %div3A_90 = arith.divf %div3A_89, %max3A_87 : vector<16xf32>
    %swap3A_91 = arith.constant 48 : index
    %swap3A_92 = tpu.vector_load %arg17[%swap3A_91] {strides = array<i32>} : memref<128xf32, #tpu.memory_space<vmem>>, vector<16xf32>,
    tpu.vector_store %arg17[%swap3A_91], %div3A_90 {strides = array<i32>} : memref<128xf32, #tpu.memory_space<vmem>>, vector<16xf32>,
    %broadcast_in_dim3A_93 = arith.constant 0.000000e+00 : f32
    %broadcast_in_dim3A_94 = vector.broadcast %broadcast_in_dim3A_93 : f32 to vector<16xf32>
    %scan3A_95 = arith.constant 0 : i32
    %scan3A_96 = arith.constant 50 : i32
    %scan3A_97 = arith.addi %scan3A_95, %scan3A_96 : i32
    %scan3A_98 = arith.constant 1 : i32
    %scan3A_99 = scf.for %scan3A_209 = %scan3A_95 to %scan3A_97 step %scan3A_98 iter_args(%scan3A_210 = %broadcast_in_dim3A_94) -> (vector<16xf32>)  : i32 {
      %get3A = arith.index_cast %scan3A_209 : i32 to index
      %get3A_211 = arith.constant 64 : index
      %get3A_212 = tpu.vector_load %arg11[%get3A, %get3A_211] {strides = array<i32>} : memref<50x128xi32, #tpu.memory_space<vmem>>, vector<16xi32>,
      %eq3A_213 = arith.constant 0 : i32
      %eq3A_214 = vector.broadcast %eq3A_213 : i32 to vector<16xi32>
      %eq3A_215 = arith.cmpi eq, %get3A_212, %eq3A_214 : vector<16xi32>
      %jit3A = arith.constant 1.000000e+00 : f32
      %jit3A_216 = arith.constant 0.000000e+00 : f32
      %broadcast_in_dim3A_217 = vector.broadcast %jit3A : f32 to vector<16xf32>
      %broadcast_in_dim3A_218 = vector.broadcast %jit3A_216 : f32 to vector<16xf32>
      %select_n3A = arith.select %eq3A_215, %broadcast_in_dim3A_217, %broadcast_in_dim3A_218 : vector<16xi1>, vector<16xf32>
      %add3A_219 = arith.addf %scan3A_210, %select_n3A : vector<16xf32>
      scf.yield %add3A_219 : vector<16xf32>
    }
    %scan3A_100 = arith.constant 50 : i32
    %swap3A_101 = arith.constant 64 : index
    %swap3A_102 = tpu.vector_load %arg16[%swap3A_101] {strides = array<i32>} : memref<128xf32, #tpu.memory_space<vmem>>, vector<16xf32>,
    tpu.vector_store %arg16[%swap3A_101], %scan3A_99 {strides = array<i32>} : memref<128xf32, #tpu.memory_space<vmem>>, vector<16xf32>,
    %sub3A_103 = arith.constant 5.000000e+01 : f32
    %sub3A_104 = vector.broadcast %sub3A_103 : f32 to vector<16xf32>
    %sub3A_105 = arith.subf %sub3A_104, %scan3A_99 : vector<16xf32>
    %max3A_106 = arith.constant 1.000000e+00 : f32
    %max3A_107 = vector.broadcast %max3A_106 : f32 to vector<16xf32>
    %max3A_108 = arith.maximumf %sub3A_105, %max3A_107 : vector<16xf32>
    %div3A_109 = arith.constant 1.000000e+00 : f32
    %div3A_110 = vector.broadcast %div3A_109 : f32 to vector<16xf32>
    %div3A_111 = arith.divf %div3A_110, %max3A_108 : vector<16xf32>
    %swap3A_112 = arith.constant 64 : index
    %swap3A_113 = tpu.vector_load %arg17[%swap3A_112] {strides = array<i32>} : memref<128xf32, #tpu.memory_space<vmem>>, vector<16xf32>,
    tpu.vector_store %arg17[%swap3A_112], %div3A_111 {strides = array<i32>} : memref<128xf32, #tpu.memory_space<vmem>>, vector<16xf32>,
    %broadcast_in_dim3A_114 = arith.constant 0.000000e+00 : f32
    %broadcast_in_dim3A_115 = vector.broadcast %broadcast_in_dim3A_114 : f32 to vector<16xf32>
    %scan3A_116 = arith.constant 0 : i32
    %scan3A_117 = arith.constant 50 : i32
    %scan3A_118 = arith.addi %scan3A_116, %scan3A_117 : i32
    %scan3A_119 = arith.constant 1 : i32
    %scan3A_120 = scf.for %scan3A_209 = %scan3A_116 to %scan3A_118 step %scan3A_119 iter_args(%scan3A_210 = %broadcast_in_dim3A_115) -> (vector<16xf32>)  : i32 {
      %get3A = arith.index_cast %scan3A_209 : i32 to index
      %get3A_211 = arith.constant 80 : index
      %get3A_212 = tpu.vector_load %arg11[%get3A, %get3A_211] {strides = array<i32>} : memref<50x128xi32, #tpu.memory_space<vmem>>, vector<16xi32>,
      %eq3A_213 = arith.constant 0 : i32
      %eq3A_214 = vector.broadcast %eq3A_213 : i32 to vector<16xi32>
      %eq3A_215 = arith.cmpi eq, %get3A_212, %eq3A_214 : vector<16xi32>
      %jit3A = arith.constant 1.000000e+00 : f32
      %jit3A_216 = arith.constant 0.000000e+00 : f32
      %broadcast_in_dim3A_217 = vector.broadcast %jit3A : f32 to vector<16xf32>
      %broadcast_in_dim3A_218 = vector.broadcast %jit3A_216 : f32 to vector<16xf32>
      %select_n3A = arith.select %eq3A_215, %broadcast_in_dim3A_217, %broadcast_in_dim3A_218 : vector<16xi1>, vector<16xf32>
      %add3A_219 = arith.addf %scan3A_210, %select_n3A : vector<16xf32>
      scf.yield %add3A_219 : vector<16xf32>
    }
    %scan3A_121 = arith.constant 50 : i32
    %swap3A_122 = arith.constant 80 : index
    %swap3A_123 = tpu.vector_load %arg16[%swap3A_122] {strides = array<i32>} : memref<128xf32, #tpu.memory_space<vmem>>, vector<16xf32>,
    tpu.vector_store %arg16[%swap3A_122], %scan3A_120 {strides = array<i32>} : memref<128xf32, #tpu.memory_space<vmem>>, vector<16xf32>,
    %sub3A_124 = arith.constant 5.000000e+01 : f32
    %sub3A_125 = vector.broadcast %sub3A_124 : f32 to vector<16xf32>
    %sub3A_126 = arith.subf %sub3A_125, %scan3A_120 : vector<16xf32>
    %max3A_127 = arith.constant 1.000000e+00 : f32
    %max3A_128 = vector.broadcast %max3A_127 : f32 to vector<16xf32>
    %max3A_129 = arith.maximumf %sub3A_126, %max3A_128 : vector<16xf32>
    %div3A_130 = arith.constant 1.000000e+00 : f32
    %div3A_131 = vector.broadcast %div3A_130 : f32 to vector<16xf32>
    %div3A_132 = arith.divf %div3A_131, %max3A_129 : vector<16xf32>
    %swap3A_133 = arith.constant 80 : index
    %swap3A_134 = tpu.vector_load %arg17[%swap3A_133] {strides = array<i32>} : memref<128xf32, #tpu.memory_space<vmem>>, vector<16xf32>,
    tpu.vector_store %arg17[%swap3A_133], %div3A_132 {strides = array<i32>} : memref<128xf32, #tpu.memory_space<vmem>>, vector<16xf32>,
    %broadcast_in_dim3A_135 = arith.constant 0.000000e+00 : f32
    %broadcast_in_dim3A_136 = vector.broadcast %broadcast_in_dim3A_135 : f32 to vector<16xf32>
    %scan3A_137 = arith.constant 0 : i32
    %scan3A_138 = arith.constant 50 : i32
    %scan3A_139 = arith.addi %scan3A_137, %scan3A_138 : i32
    %scan3A_140 = arith.constant 1 : i32
    %scan3A_141 = scf.for %scan3A_209 = %scan3A_137 to %scan3A_139 step %scan3A_140 iter_args(%scan3A_210 = %broadcast_in_dim3A_136) -> (vector<16xf32>)  : i32 {
      %get3A = arith.index_cast %scan3A_209 : i32 to index
      %get3A_211 = arith.constant 96 : index
      %get3A_212 = tpu.vector_load %arg11[%get3A, %get3A_211] {strides = array<i32>} : memref<50x128xi32, #tpu.memory_space<vmem>>, vector<16xi32>,
      %eq3A_213 = arith.constant 0 : i32
      %eq3A_214 = vector.broadcast %eq3A_213 : i32 to vector<16xi32>
      %eq3A_215 = arith.cmpi eq, %get3A_212, %eq3A_214 : vector<16xi32>
      %jit3A = arith.constant 1.000000e+00 : f32
      %jit3A_216 = arith.constant 0.000000e+00 : f32
      %broadcast_in_dim3A_217 = vector.broadcast %jit3A : f32 to vector<16xf32>
      %broadcast_in_dim3A_218 = vector.broadcast %jit3A_216 : f32 to vector<16xf32>
      %select_n3A = arith.select %eq3A_215, %broadcast_in_dim3A_217, %broadcast_in_dim3A_218 : vector<16xi1>, vector<16xf32>
      %add3A_219 = arith.addf %scan3A_210, %select_n3A : vector<16xf32>
      scf.yield %add3A_219 : vector<16xf32>
    }
    %scan3A_142 = arith.constant 50 : i32
    %swap3A_143 = arith.constant 96 : index
    %swap3A_144 = tpu.vector_load %arg16[%swap3A_143] {strides = array<i32>} : memref<128xf32, #tpu.memory_space<vmem>>, vector<16xf32>,
    tpu.vector_store %arg16[%swap3A_143], %scan3A_141 {strides = array<i32>} : memref<128xf32, #tpu.memory_space<vmem>>, vector<16xf32>,
    %sub3A_145 = arith.constant 5.000000e+01 : f32
    %sub3A_146 = vector.broadcast %sub3A_145 : f32 to vector<16xf32>
    %sub3A_147 = arith.subf %sub3A_146, %scan3A_141 : vector<16xf32>
    %max3A_148 = arith.constant 1.000000e+00 : f32
    %max3A_149 = vector.broadcast %max3A_148 : f32 to vector<16xf32>
    %max3A_150 = arith.maximumf %sub3A_147, %max3A_149 : vector<16xf32>
    %div3A_151 = arith.constant 1.000000e+00 : f32
    %div3A_152 = vector.broadcast %div3A_151 : f32 to vector<16xf32>
    %div3A_153 = arith.divf %div3A_152, %max3A_150 : vector<16xf32>
    %swap3A_154 = arith.constant 96 : index
    %swap3A_155 = tpu.vector_load %arg17[%swap3A_154] {strides = array<i32>} : memref<128xf32, #tpu.memory_space<vmem>>, vector<16xf32>,
    tpu.vector_store %arg17[%swap3A_154], %div3A_153 {strides = array<i32>} : memref<128xf32, #tpu.memory_space<vmem>>, vector<16xf32>,
    %broadcast_in_dim3A_156 = arith.constant 0.000000e+00 : f32
    %broadcast_in_dim3A_157 = vector.broadcast %broadcast_in_dim3A_156 : f32 to vector<16xf32>
    %scan3A_158 = arith.constant 0 : i32
    %scan3A_159 = arith.constant 50 : i32
    %scan3A_160 = arith.addi %scan3A_158, %scan3A_159 : i32
    %scan3A_161 = arith.constant 1 : i32
    %scan3A_162 = scf.for %scan3A_209 = %scan3A_158 to %scan3A_160 step %scan3A_161 iter_args(%scan3A_210 = %broadcast_in_dim3A_157) -> (vector<16xf32>)  : i32 {
      %get3A = arith.index_cast %scan3A_209 : i32 to index
      %get3A_211 = arith.constant 112 : index
      %get3A_212 = tpu.vector_load %arg11[%get3A, %get3A_211] {strides = array<i32>} : memref<50x128xi32, #tpu.memory_space<vmem>>, vector<16xi32>,
      %eq3A_213 = arith.constant 0 : i32
      %eq3A_214 = vector.broadcast %eq3A_213 : i32 to vector<16xi32>
      %eq3A_215 = arith.cmpi eq, %get3A_212, %eq3A_214 : vector<16xi32>
      %jit3A = arith.constant 1.000000e+00 : f32
      %jit3A_216 = arith.constant 0.000000e+00 : f32
      %broadcast_in_dim3A_217 = vector.broadcast %jit3A : f32 to vector<16xf32>
      %broadcast_in_dim3A_218 = vector.broadcast %jit3A_216 : f32 to vector<16xf32>
      %select_n3A = arith.select %eq3A_215, %broadcast_in_dim3A_217, %broadcast_in_dim3A_218 : vector<16xi1>, vector<16xf32>
      %add3A_219 = arith.addf %scan3A_210, %select_n3A : vector<16xf32>
      scf.yield %add3A_219 : vector<16xf32>
    }
    %scan3A_163 = arith.constant 50 : i32
    %swap3A_164 = arith.constant 112 : index
    %swap3A_165 = tpu.vector_load %arg16[%swap3A_164] {strides = array<i32>} : memref<128xf32, #tpu.memory_space<vmem>>, vector<16xf32>,
    tpu.vector_store %arg16[%swap3A_164], %scan3A_162 {strides = array<i32>} : memref<128xf32, #tpu.memory_space<vmem>>, vector<16xf32>,
    %sub3A_166 = arith.constant 5.000000e+01 : f32
    %sub3A_167 = vector.broadcast %sub3A_166 : f32 to vector<16xf32>
    %sub3A_168 = arith.subf %sub3A_167, %scan3A_162 : vector<16xf32>
    %max3A_169 = arith.constant 1.000000e+00 : f32
    %max3A_170 = vector.broadcast %max3A_169 : f32 to vector<16xf32>
    %max3A_171 = arith.maximumf %sub3A_168, %max3A_170 : vector<16xf32>
    %div3A_172 = arith.constant 1.000000e+00 : f32
    %div3A_173 = vector.broadcast %div3A_172 : f32 to vector<16xf32>
    %div3A_174 = arith.divf %div3A_173, %max3A_171 : vector<16xf32>
    %swap3A_175 = arith.constant 112 : index
    %swap3A_176 = tpu.vector_load %arg17[%swap3A_175] {strides = array<i32>} : memref<128xf32, #tpu.memory_space<vmem>>, vector<16xf32>,
    tpu.vector_store %arg17[%swap3A_175], %div3A_174 {strides = array<i32>} : memref<128xf32, #tpu.memory_space<vmem>>, vector<16xf32>,
    %dma_wait3A = arith.constant 0 : i32
    %dma_wait3A_177 = arith.constant 0 : i32
    %dma_wait3A_178 = tpu.memref_slice %arg5[%dma_wait3A, %dma_wait3A_177] : memref<100000x64xf32, #tpu.memory_space<hbm>> -> memref<100000x64xf32, #tpu.memory_space<hbm>>
    tpu.wait_indirect_dma semaphore(%arg19 : memref<!tpu.dma_semaphore, #tpu.memory_space<semaphore_mem>>) src(%dma_wait3A_178 : memref<100000x64xf32, #tpu.memory_space<hbm>>) dst(%arg12 : memref<128x64xf32, #tpu.memory_space<vmem>>)
    %dma_wait3A_179 = arith.constant 0 : i32
    %dma_wait3A_180 = arith.constant 0 : i32
    %dma_wait3A_181 = tpu.memref_slice %arg6[%dma_wait3A_179, %dma_wait3A_180] : memref<100000x64xf32, #tpu.memory_space<hbm>> -> memref<100000x64xf32, #tpu.memory_space<hbm>>
    tpu.wait_indirect_dma semaphore(%arg19 : memref<!tpu.dma_semaphore, #tpu.memory_space<semaphore_mem>>) src(%dma_wait3A_181 : memref<100000x64xf32, #tpu.memory_space<hbm>>) dst(%arg13 : memref<128x64xf32, #tpu.memory_space<vmem>>)
    %dma_wait3A_182 = arith.constant 0 : i32
    %dma_wait3A_183 = arith.constant 0 : i32
    %dma_wait3A_184 = tpu.memref_slice %arg11[%dma_wait3A_182, %dma_wait3A_183] : memref<50x128xi32, #tpu.memory_space<vmem>> -> memref<1x128xi32, #tpu.memory_space<vmem>>
    %dma_wait3A_185 = tpu.memref_squeeze %dma_wait3A_184 : memref<1x128xi32, #tpu.memory_space<vmem>> -> memref<128xi32, #tpu.memory_space<vmem>>
    %dma_wait3A_186 = arith.constant 0 : i32
    %dma_wait3A_187 = arith.constant 0 : i32
    %dma_wait3A_188 = tpu.memref_slice %arg7[%dma_wait3A_186, %dma_wait3A_187] : memref<100000x64xf32, #tpu.memory_space<hbm>> -> memref<100000x64xf32, #tpu.memory_space<hbm>>
    tpu.wait_indirect_dma semaphore(%arg19 : memref<!tpu.dma_semaphore, #tpu.memory_space<semaphore_mem>>) src(%dma_wait3A_188 : memref<100000x64xf32, #tpu.memory_space<hbm>>) dst(%arg14 : memref<128x64xf32, #tpu.memory_space<vmem>>)
    %scan3A_189 = arith.constant 0 : i32
    %scan3A_190 = arith.constant 1 : i32
    %scan3A_191 = arith.constant 49 : i32
    %scan3A_192 = arith.addi %scan3A_190, %scan3A_191 : i32
    %scan3A_193 = arith.constant 1 : i32
    scf.for %scan3A_209 = %scan3A_190 to %scan3A_192 step %scan3A_193  : i32 {
      %dma_start3A_210 = arith.constant 0 : i32
      %dma_start3A_211 = tpu.memref_slice %arg11[%scan3A_209, %dma_start3A_210] : memref<50x128xi32, #tpu.memory_space<vmem>> -> memref<1x128xi32, #tpu.memory_space<vmem>>
      %dma_start3A_212 = tpu.memref_squeeze %dma_start3A_211 : memref<1x128xi32, #tpu.memory_space<vmem>> -> memref<128xi32, #tpu.memory_space<vmem>>
      %dma_start3A_213 = arith.constant 0 : i32
      %dma_start3A_214 = arith.constant 0 : i32
      %dma_start3A_215 = tpu.memref_slice %arg7[%dma_start3A_213, %dma_start3A_214] : memref<100000x64xf32, #tpu.memory_space<hbm>> -> memref<100000x64xf32, #tpu.memory_space<hbm>>
      tpu.enqueue_indirect_dma source(%dma_start3A_215 : memref<100000x64xf32, #tpu.memory_space<hbm>>) target(%arg14 : memref<128x64xf32, #tpu.memory_space<vmem>>) offsets(%dma_start3A_212 : memref<128xi32, #tpu.memory_space<vmem>>) semaphore(%arg19 : memref<!tpu.dma_semaphore, #tpu.memory_space<semaphore_mem>>) {add = true}
    }
    %scan3A_194 = arith.constant 49 : i32
    %scan3A_195 = arith.constant 0 : i32
    %scan3A_196 = arith.constant 1 : i32
    %scan3A_197 = arith.constant 49 : i32
    %scan3A_198 = arith.addi %scan3A_196, %scan3A_197 : i32
    %scan3A_199 = arith.constant 1 : i32
    scf.for %scan3A_209 = %scan3A_196 to %scan3A_198 step %scan3A_199  : i32 {
      %dma_wait3A_210 = arith.constant 0 : i32
      %dma_wait3A_211 = tpu.memref_slice %arg11[%scan3A_209, %dma_wait3A_210] : memref<50x128xi32, #tpu.memory_space<vmem>> -> memref<1x128xi32, #tpu.memory_space<vmem>>
      %dma_wait3A_212 = tpu.memref_squeeze %dma_wait3A_211 : memref<1x128xi32, #tpu.memory_space<vmem>> -> memref<128xi32, #tpu.memory_space<vmem>>
      %dma_wait3A_213 = arith.constant 0 : i32
      %dma_wait3A_214 = arith.constant 0 : i32
      %dma_wait3A_215 = tpu.memref_slice %arg7[%dma_wait3A_213, %dma_wait3A_214] : memref<100000x64xf32, #tpu.memory_space<hbm>> -> memref<100000x64xf32, #tpu.memory_space<hbm>>
      tpu.wait_indirect_dma semaphore(%arg19 : memref<!tpu.dma_semaphore, #tpu.memory_space<semaphore_mem>>) src(%dma_wait3A_215 : memref<100000x64xf32, #tpu.memory_space<hbm>>) dst(%arg14 : memref<128x64xf32, #tpu.memory_space<vmem>>)
    }
    %scan3A_200 = arith.constant 49 : i32
    %iota3A = tpu.iota {dimensions = array<i32: 0>} : vector<16xi32>
    %eq3A = arith.constant 15 : i32
    %eq3A_201 = vector.broadcast %eq3A : i32 to vector<16xi32>
    %eq3A_202 = arith.cmpi eq, %iota3A, %eq3A_201 : vector<16xi32>
    %scan3A_203 = arith.constant 0 : i32
    %scan3A_204 = arith.constant 0 : i32
    %scan3A_205 = arith.constant 128 : i32
    %scan3A_206 = arith.addi %scan3A_204, %scan3A_205 : i32
    %scan3A_207 = arith.constant 1 : i32
    scf.for %scan3A_209 = %scan3A_204 to %scan3A_206 step %scan3A_207  : i32 {
      %broadcast_in_dim3A_210 = vector.broadcast %scan3A_209 : i32 to vector<16xi32>
      %gather3A = tpu.vector_load_idx %arg16[%broadcast_in_dim3A_210] : memref<128xf32, #tpu.memory_space<vmem>>[vector<16xi32>], vector<16xf32>,
      %gather3A_211 = tpu.vector_load_idx %arg17[%broadcast_in_dim3A_210] : memref<128xf32, #tpu.memory_space<vmem>>[vector<16xi32>], vector<16xf32>,
      %broadcast_in_dim3A_212 = arith.constant 0.000000e+00 : f32
      %broadcast_in_dim3A_213 = vector.broadcast %broadcast_in_dim3A_212 : f32 to vector<16xf32>
      %get3A = arith.index_cast %scan3A_209 : i32 to index
      %get3A_214 = arith.constant 0 : index
      %get3A_215 = tpu.vector_load %arg14[%get3A, %get3A_214] {strides = array<i32>} : memref<128x64xf32, #tpu.memory_space<vmem>>, vector<16xf32>,
      %get3A_216 = arith.constant 0 : index
      %get3A_217 = tpu.vector_load %arg15[%get3A_216] {strides = array<i32>} : memref<64xf32, #tpu.memory_space<vmem>>, vector<16xf32>,
      %mul3A_218 = arith.mulf %gather3A, %get3A_217 : vector<16xf32>
      %sub3A_219 = arith.subf %get3A_215, %mul3A_218 : vector<16xf32>
      %mul3A_220 = arith.mulf %sub3A_219, %gather3A_211 : vector<16xf32>
      %get3A_221 = arith.index_cast %scan3A_209 : i32 to index
      %get3A_222 = arith.constant 0 : index
      %get3A_223 = tpu.vector_load %arg12[%get3A_221, %get3A_222] {strides = array<i32>} : memref<128x64xf32, #tpu.memory_space<vmem>>, vector<16xf32>,
      %get3A_224 = arith.index_cast %scan3A_209 : i32 to index
      %get3A_225 = arith.constant 0 : index
      %get3A_226 = tpu.vector_load %arg13[%get3A_224, %get3A_225] {strides = array<i32>} : memref<128x64xf32, #tpu.memory_space<vmem>>, vector<16xf32>,
      %add3A_227 = arith.addf %get3A_226, %mul3A_220 : vector<16xf32>
      %mul3A_228 = arith.mulf %get3A_223, %add3A_227 : vector<16xf32>
      %add3A_229 = arith.addf %broadcast_in_dim3A_213, %mul3A_228 : vector<16xf32>
      %get3A_230 = arith.index_cast %scan3A_209 : i32 to index
      %get3A_231 = arith.constant 16 : index
      %get3A_232 = tpu.vector_load %arg14[%get3A_230, %get3A_231] {strides = array<i32>} : memref<128x64xf32, #tpu.memory_space<vmem>>, vector<16xf32>,
      %get3A_233 = arith.constant 16 : index
      %get3A_234 = tpu.vector_load %arg15[%get3A_233] {strides = array<i32>} : memref<64xf32, #tpu.memory_space<vmem>>, vector<16xf32>,
      %mul3A_235 = arith.mulf %gather3A, %get3A_234 : vector<16xf32>
      %sub3A_236 = arith.subf %get3A_232, %mul3A_235 : vector<16xf32>
      %mul3A_237 = arith.mulf %sub3A_236, %gather3A_211 : vector<16xf32>
      %get3A_238 = arith.index_cast %scan3A_209 : i32 to index
      %get3A_239 = arith.constant 16 : index
      %get3A_240 = tpu.vector_load %arg12[%get3A_238, %get3A_239] {strides = array<i32>} : memref<128x64xf32, #tpu.memory_space<vmem>>, vector<16xf32>,
      %get3A_241 = arith.index_cast %scan3A_209 : i32 to index
      %get3A_242 = arith.constant 16 : index
      %get3A_243 = tpu.vector_load %arg13[%get3A_241, %get3A_242] {strides = array<i32>} : memref<128x64xf32, #tpu.memory_space<vmem>>, vector<16xf32>,
      %add3A_244 = arith.addf %get3A_243, %mul3A_237 : vector<16xf32>
      %mul3A_245 = arith.mulf %get3A_240, %add3A_244 : vector<16xf32>
      %add3A_246 = arith.addf %add3A_229, %mul3A_245 : vector<16xf32>
      %get3A_247 = arith.index_cast %scan3A_209 : i32 to index
      %get3A_248 = arith.constant 32 : index
      %get3A_249 = tpu.vector_load %arg14[%get3A_247, %get3A_248] {strides = array<i32>} : memref<128x64xf32, #tpu.memory_space<vmem>>, vector<16xf32>,
      %get3A_250 = arith.constant 32 : index
      %get3A_251 = tpu.vector_load %arg15[%get3A_250] {strides = array<i32>} : memref<64xf32, #tpu.memory_space<vmem>>, vector<16xf32>,
      %mul3A_252 = arith.mulf %gather3A, %get3A_251 : vector<16xf32>
      %sub3A_253 = arith.subf %get3A_249, %mul3A_252 : vector<16xf32>
      %mul3A_254 = arith.mulf %sub3A_253, %gather3A_211 : vector<16xf32>
      %get3A_255 = arith.index_cast %scan3A_209 : i32 to index
      %get3A_256 = arith.constant 32 : index
      %get3A_257 = tpu.vector_load %arg12[%get3A_255, %get3A_256] {strides = array<i32>} : memref<128x64xf32, #tpu.memory_space<vmem>>, vector<16xf32>,
      %get3A_258 = arith.index_cast %scan3A_209 : i32 to index
      %get3A_259 = arith.constant 32 : index
      %get3A_260 = tpu.vector_load %arg13[%get3A_258, %get3A_259] {strides = array<i32>} : memref<128x64xf32, #tpu.memory_space<vmem>>, vector<16xf32>,
      %add3A_261 = arith.addf %get3A_260, %mul3A_254 : vector<16xf32>
      %mul3A_262 = arith.mulf %get3A_257, %add3A_261 : vector<16xf32>
      %add3A_263 = arith.addf %add3A_246, %mul3A_262 : vector<16xf32>
      %get3A_264 = arith.index_cast %scan3A_209 : i32 to index
      %get3A_265 = arith.constant 48 : index
      %get3A_266 = tpu.vector_load %arg14[%get3A_264, %get3A_265] {strides = array<i32>} : memref<128x64xf32, #tpu.memory_space<vmem>>, vector<16xf32>,
      %get3A_267 = arith.constant 48 : index
      %get3A_268 = tpu.vector_load %arg15[%get3A_267] {strides = array<i32>} : memref<64xf32, #tpu.memory_space<vmem>>, vector<16xf32>,
      %mul3A_269 = arith.mulf %gather3A, %get3A_268 : vector<16xf32>
      %sub3A_270 = arith.subf %get3A_266, %mul3A_269 : vector<16xf32>
      %mul3A_271 = arith.mulf %sub3A_270, %gather3A_211 : vector<16xf32>
      %get3A_272 = arith.index_cast %scan3A_209 : i32 to index
      %get3A_273 = arith.constant 48 : index
      %get3A_274 = tpu.vector_load %arg12[%get3A_272, %get3A_273] {strides = array<i32>} : memref<128x64xf32, #tpu.memory_space<vmem>>, vector<16xf32>,
      %get3A_275 = arith.index_cast %scan3A_209 : i32 to index
      %get3A_276 = arith.constant 48 : index
      %get3A_277 = tpu.vector_load %arg13[%get3A_275, %get3A_276] {strides = array<i32>} : memref<128x64xf32, #tpu.memory_space<vmem>>, vector<16xf32>,
      %add3A_278 = arith.addf %get3A_277, %mul3A_271 : vector<16xf32>
      %mul3A_279 = arith.mulf %get3A_274, %add3A_278 : vector<16xf32>
      %add3A_280 = arith.addf %add3A_263, %mul3A_279 : vector<16xf32>
      %broadcast_in_dim3A_281 = arith.constant true
      %broadcast_in_dim3A_282 = vector.broadcast %broadcast_in_dim3A_281 : i1 to vector<16xi1>
      %masked_cumsum3A = tpu.scan <sum>, %add3A_280 masked %broadcast_in_dim3A_282 : vector<16xf32>, vector<16xi1> -> vector<16xf32>
      tpu.vector_store_idx %arg18[%broadcast_in_dim3A_210], %masked_cumsum3A masked %eq3A_202 : memref<128xf32, #tpu.memory_space<vmem>>[vector<16xi32>], vector<16xf32>, vector<16xi1>
    }
    %scan3A_208 = arith.constant 128 : i32
    "tpu.region"() ({
      %run_scoped3A_209 = tpu.sem_alloc : memref<!tpu.dma_semaphore, #tpu.memory_space<semaphore_mem>>
      %dma_start3A_210 = tpu.memref_slice %arg8[%mul3A_2] : memref<4096xf32, #tpu.memory_space<hbm>> -> memref<128xf32, #tpu.memory_space<hbm>>
      %dma_start3A_211 = tpu.memref_slice %arg8[%mul3A_2] : memref<4096xf32, #tpu.memory_space<hbm>> -> memref<128xf32, #tpu.memory_space<hbm>>
      tpu.enqueue_dma source(%arg18 : memref<128xf32, #tpu.memory_space<vmem>>) target(%dma_start3A_211 : memref<128xf32, #tpu.memory_space<hbm>>) target_semaphore(%run_scoped3A_209 : memref<!tpu.dma_semaphore, #tpu.memory_space<semaphore_mem>>)
      %dma_wait3A_212 = tpu.memref_slice %arg8[%mul3A_2] : memref<4096xf32, #tpu.memory_space<hbm>> -> memref<128xf32, #tpu.memory_space<hbm>>
      %dma_wait3A_213 = tpu.memref_slice %arg8[%mul3A_2] : memref<4096xf32, #tpu.memory_space<hbm>> -> memref<128xf32, #tpu.memory_space<hbm>>
      tpu.wait_dma2 semaphore(%run_scoped3A_209 : memref<!tpu.dma_semaphore, #tpu.memory_space<semaphore_mem>>) src(%arg18 : memref<128xf32, #tpu.memory_space<vmem>>) dst(%dma_wait3A_213 : memref<128xf32, #tpu.memory_space<hbm>>)
      tpu.yield
    }) : () -> ()
    return
  }
}

</mosaic_0001>

<sc_bundles>
// kernel: kernel.3.cloned.1.call-start
scs
__scs_entry_jumppad:
0x0: {  	(pc) =	sbr.rel $0x88, $3  }
0x1: {  	(tag) =	ssettag $0x0;
	lr =	simm.s32 $0x1  }
0x2: {  	[smem:$0x3F9B] =	sst lr;
	_ =	strace $0xD0000000  }
0x3: {  	_ = 	snop  }
0x4: {  	_ = 	snop  }
0x5: {  	_ = 	snop  }
0x6: {  	_ = 	snop  }
0x7: {  	_ = 	snop  }
__scs_overlays_trampoline_lowered:
0x8: {  	[smem:$0x3FAA] =	sst s0  }
0x9: {  	[smem:$0x3FAB] =	sst s1  }
0xa: {  	[smem:$0x3FAC] =	sst s2  }
0xb: {  	[smem:$0x3FAD] =	sst s3  }
0xc: {  	[smem:$0x3FAE] =	sst s4  }
0xd: {  	[smem:$0x3FAF] =	sst s5  }
0xe: {  	[smem:$0x3FB0] =	sst s6  }
0xf: {  	[smem:$0x3FB1] =	sst s7  }
0x10: {  	[smem:$0x3FB2] =	sst s8  }
0x11: {  	[smem:$0x3FB3] =	sst s9;
	s0 =	simm.s32 @!p0 $0x0  }
0x12: {  	s1 =	sld [smem:$0x3F99];
	s0 =	simm.s32 @p0 $0x1  }
0x13: {  	[smem:$0x3FB4] =	sst s0;
	s0 =	simm.s32 @!p1 $0x0  }
0x14: {  	s2 =	sld [smem:$0x3F98];
	s0 =	simm.s32 @p1 $0x1  }
0x15: {  	[smem:$0x3FB5] =	sst s0;
	s0 =	simm.s32 @!p2 $0x0  }
0x16: {  	s3 =	sld [smem:$0x3FDB];
	s0 =	simm.s32 @p2 $0x1  }
0x17: {  	s4 =	simm.s32 $0x1BF5;
	[smem:$0x3FB7] =	sst s0  }
0x18: {  	s0 =	sld [smem:$0x3F9A];
	_ =	swait.ge [sflag:s4], $0x0  }
0x19: {  	s7 =	sld [smem:$0x3F9B]  }
0x1a: {  	s8 =	sadd.s32 $0xFFFFE003, lr  }
0x1b: {  	s9 =	sadd.s32 $0xFFFFFEF7, lr;
	s5 =	simm.s32 $0xFFFFFFFF;
	p2 =	slt.u32 s8, $0xFFFFF086  }
0x1c: {  	p1 =	slt.u32 s9, $0xF7A;
	s5 =	simm.s32 @!p2 $0x0  }
0x1d: {  	s5 =	simm.s32 @p1 $0x1;
	p0 =	seq.s32 s7, s2  }
0x1e: {  	s7 =	smul.u32 @!p0 $0xF7A, s2;
	p2 =	seq.s32 @!p0 s5, $0x0  }
0x1f: {  	s9 =	smul.u32 $0xF7A, s1;
	s8 =	simm.s32 @!p0 $0x1BF5;
	p2 =	por !p2, p0  }
0x20: {  	[sflag:s8] =	ssyncset.s32 @!p0 $0xFFFFF086;
	s6 =	sadd.s32 @!p0 s3, s7;
	s7 =	simm.s32 @!p0 $0x108  }
0x21: {  	s3 =	sadd.s32 s3, s9;
	s6 =	sadd.s32 @!p0 $0x88, s6;
	s7 =	simm.s32 @p2 $0x1082  }
0x22: {  	[simem:s7], [sflag:s8] =	dma.local @!p0 [hbm:s6], $0xF7A  }
0x23: {  	s9 =	sor.u32 $0xD0000000, s2;
	s6 =	simm.s32 $0x108;
	_ =	swait.ge @!p0 [sflag:s8], $0x0  }
0x24: {  	s3 =	sadd.s32 $0x88, s3;
	s6 =	simm.s32 @!p1 $0x1082;
	[sflag:s4] =	ssyncset.s32 $0xFFFFF086  }
0x25: {  	[simem:s6], [sflag:s4] =	dma.local [hbm:s3], $0xF7A  }
0x26: {  	[smem:$0x3F9B] =	sst s1;
	(tag) =	ssettag s2;
	_ =	strace s9  }
0x27: {  	s1 =	sld [smem:$0x3FAB]  }
0x28: {  	s2 =	sld [smem:$0x3FAC]  }
0x29: {  	s4 =	sld [smem:$0x3FAE]  }
0x2a: {  	p0 =	seq.s32 s5, $0x0;
	s5 =	sld [smem:$0x3FAF]  }
0x2b: {  	s6 =	sld [smem:$0x3FB0]  }
0x2c: {  	s7 =	sld [smem:$0x3FB1]  }
0x2d: {  	s3 =	simm.s32 $0x108;
	s8 =	sld [smem:$0x3FB2]  }
0x2e: {  	s3 =	simm.s32 @!p0 $0x1082;
	s9 =	sld [smem:$0x3FB3]  }
0x2f: {  	lr =	sadd.s32 s0, s3;
	s0 =	sld [smem:$0x3FAA]  }
0x30: {  	s3 =	sld [smem:$0x3FAD]  }
0x31: {  	[smem:$0x3FB6] =	sst s10  }
0x32: {  	s10 =	sld [smem:$0x3FB4];
	_ =	sdelay $0x3  }
0x33: {  	p0 =	seq.s32 s10, $0x1;
	s10 =	sld [smem:$0x3FB6];
	_ =	sdelay $0x3  }
0x34: {  	[smem:$0x3FB6] =	sst s10  }
0x35: {  	s10 =	sld [smem:$0x3FB5];
	_ =	sdelay $0x3  }
0x36: {  	p1 =	seq.s32 s10, $0x1;
	s10 =	sld [smem:$0x3FB6];
	_ =	sdelay $0x3  }
0x37: {  	[smem:$0x3FB6] =	sst s10  }
0x38: {  	s10 =	sld [smem:$0x3FB7]  }
0x39: {  	_ = 	snop;
	(pc) =	sbr.ind lr, $3  }
0x3a: {  	_ = 	snop  }
0x3b: {  	_ = 	snop  }
0x3c: {  	p2 =	seq.s32 s10, $0x1;
	s10 =	sld [smem:$0x3FB6]  }
0x3d: {  	_ =	shalt  }
0x3e: {  	_ =	shalt  }
0x3f: {  	_ =	shalt  }
0x40: {  	_ =	shalt  }
0x41: {  	_ =	shalt  }
0x42: {  	_ =	shalt  }
0x43: {  	_ =	shalt  }
0x44: {  	_ =	shalt  }
0x45: {  	_ =	shalt  }
0x46: {  	_ =	shalt  }
0x47: {  	_ =	shalt  }
0x48: {  	_ =	shalt  }
0x49: {  	_ =	shalt  }
0x4a: {  	_ =	shalt  }
0x4b: {  	_ =	shalt  }
0x4c: {  	_ =	shalt  }
0x4d: {  	_ =	shalt  }
0x4e: {  	_ =	shalt  }
0x4f: {  	_ =	shalt  }
0x50: {  	_ =	shalt  }
0x51: {  	_ =	shalt  }
0x52: {  	_ =	shalt  }
0x53: {  	_ =	shalt  }
0x54: {  	_ =	shalt  }
0x55: {  	_ =	shalt  }
0x56: {  	_ =	shalt  }
0x57: {  	_ =	shalt  }
0x58: {  	_ =	shalt  }
0x59: {  	_ =	shalt  }
0x5a: {  	_ =	shalt  }
0x5b: {  	_ =	shalt  }
0x5c: {  	_ =	shalt  }
0x5d: {  	_ =	shalt  }
0x5e: {  	_ =	shalt  }
0x5f: {  	_ =	shalt  }
0x60: {  	_ =	shalt  }
0x61: {  	_ =	shalt  }
0x62: {  	_ =	shalt  }
0x63: {  	_ =	shalt  }
0x64: {  	_ =	shalt  }
0x65: {  	_ =	shalt  }
0x66: {  	_ =	shalt  }
0x67: {  	_ =	shalt  }
0x68: {  	_ =	shalt  }
0x69: {  	_ =	shalt  }
0x6a: {  	_ =	shalt  }
0x6b: {  	_ =	shalt  }
0x6c: {  	_ =	shalt  }
0x6d: {  	_ =	shalt  }
0x6e: {  	_ =	shalt  }
0x6f: {  	_ =	shalt  }
0x70: {  	_ =	shalt  }
0x71: {  	_ =	shalt  }
0x72: {  	_ =	shalt  }
0x73: {  	_ =	shalt  }
0x74: {  	_ =	shalt  }
0x75: {  	_ =	shalt  }
0x76: {  	_ =	shalt  }
0x77: {  	_ =	shalt  }
0x78: {  	_ =	shalt  }
0x79: {  	_ =	shalt  }
0x7a: {  	_ =	shalt  }
0x7b: {  	_ =	shalt  }
0x7c: {  	_ =	shalt  }
0x7d: {  	_ =	shalt  }
0x7e: {  	_ =	shalt  }
0x7f: {  	_ =	shalt  }
0x80: {  	_ =	shalt  }
0x81: {  	_ =	shalt  }
0x82: {  	_ =	shalt  }
0x83: {  	_ =	shalt  }
0x84: {  	_ =	shalt  }
0x85: {  	_ =	shalt  }
0x86: {  	_ =	shalt  }
0x87: {  	_ =	shalt  }
.Lfunc_end0:
.L_simem_size_0:
called_computation_lowered:
.L_overlay_start_0:
0x88: {  	s2 =	sld [smem:$0x3FD9]  }
0x89: {  	s3 =	sld [smem:$0x3FFE];
	_ =	sdelay $0x1  }
0x8a: {  	s1 =	srdreg.scid  }
0x8b: {  	s0 =	sand.u32 $0x1, s1  }
0x8c: {  	s17 =	sshll.u32 s0, $0xA;
	s2 =	sadd.s32 s3, s2  }
0x8d: {  	s2 =	sadd.s32 s2, s17  }
0x8e: {  	[smem:$0x3FC2] =	sst s2  }
0x8f: {  	_ = 	snop  }
0x90: {  	s2 =	sld [smem:$0x3FC9]  }
0x91: {  	s18 =	sld [smem:$0x3FC8]  }
0x92: {  	s4 =	sld [smem:$0x3FD0];
	(tm) =	ssettm $0x1  }
0x93: {  	s5 =	sld [smem:$0x3FFB];
	_ =	sdelay $0x3  }
0x94: {  	_ =	strace s5  }
0x95: {  	s5 =	sld [smem:$0x3FFC];
	_ =	sdelay $0x3  }
0x96: {  	_ =	strace s5  }
0x97: {  	s5 =	sld [smem:$0x3FFD];
	_ =	sdelay $0x3  }
0x98: {  	_ =	strace s5  }
0x99: {  	_ =	strace $0x8FFFFFFF  }
0x9a: {  	s19 =	sld [smem:$0x3FDB];
	_ =	sdelay $0x1  }
0x9b: {  	s6 =	simm.s32 $_scs_section_size  }
0x9c: {  	s7 =	simm.s32 $_size__tile_overlayer_lowered;
	s8 =	simm.s32 $_tile_overlayer_lowered  }
0x9d: {  	s22 =	simm.s32 $0x1BFF;
	s21 =	sshll.u32 s8, $0x1;
	s5 =	sadd.s32 s6, s19  }
0x9e: {  	s9 =	simm.s32 $0x0;
	s20 =	sshll.u32 s7, $0x1;
	s7 =	sadd.s32 s21, s5  }
0x9f: {  	[timem:s9], [sflag:s22] =	dma.local [hbm:s7], s20  }
0xa0: {  	_ =	swait.ge [sflag:s22], s20  }
0xa1: {  	s6 =	ssub.s32 $0x0, s20;
	[sflag:s22] =	ssyncset.done $0x0  }
0xa2: {  	[sflag:s22] =	ssyncadd.s32 s6;
	_ =	sdelay $0x1  }
0xa3: {  	s23 =	simm.s32 $0x1B8B  }
0xa4: {  	_ =	swait.ge [sflag:s23], $0x1  }
0xa5: {  	[sflag:s23] =	ssyncset.done $0x0  }
0xa6: {  	s25 =	simm.s32 $0x1B8E;
	s24 =	sld [smem:$0x3FFE];
	[sflag:s23] =	ssyncadd.s32 $0xFFFFFFFF  }
0xa7: {  	s26 =	simm.s32 $execute0_lowered;
	[smem:$0x3FD2] =	sst s25  }
0xa8: {  	s7 =	sshll.u32 s26, $0x1;
	_ =	strace $0x80000046;
	[dreg:$0x1] =	wrdreg $0xFFFFFFFF  }
0xa9: {  	s28 =	simm.s32 $_size_execute0_lowered;
	s5 =	sadd.s32 s5, s7;
	[dreg:$0x0] =	wrdreg $0x0  }
0xaa: {  	s7 =	sshll.u32 s28, $0x1;
	[dreg:$0x2] =	wrdreg s5  }
0xab: {  	[dreg:$0x3] =	wrdreg s7  }
0xac: {  	[dreg:$0x4] =	wrdreg $0xC0  }
0xad: {  	_ =	task [dreg:s9], $0x5FFFF  }
0xae: {  	[dreg:$0x1] =	wrdreg $0xFFFFFFFF  }
0xaf: {  	[dreg:$0x0] =	wrdreg $0x60  }
0xb0: {  	[dreg:$0x2] =	wrdreg s2  }
0xb1: {  	[dreg:$0x3] =	wrdreg s18  }
0xb2: {  	[dreg:$0x4] =	wrdreg s24  }
0xb3: {  	[dreg:$0x5] =	wrdreg s4  }
0xb4: {  	[dreg:$0x6] =	wrdreg $0x9  }
0xb5: {  	_ =	task.clear_ibuf [dreg:s9], $0x7FFFF;
	_ =	strace $0x90000046  }
0xb6: {  	s29 =	simm.s32 $0x9;
	_ =	strace $0x80000048  }
0xb7: {  	_ =	swait.ge [sflag:s29], $0x1  }
0xb8: {  	[sflag:s29] =	ssyncadd.s32 $0xFFFFFFFF  }
0xb9: {  	_ =	strace $0x90000048  }
0xba: {  	_ =	sfence  }
0xbb: {  	s30 =	sld [smem:$0x0];
	_ =	sdelay $0x2  }
0xbc: {  	s31 =	sshll.u32 s1, $0xD;
	s1 =	sshrl.u32 s1, $0x2  }
0xbd: {  	s3 =	sand.u32 $0x4000, s31;
	s1 =	sadd.s32 s1, s30  }
0xbe: {  	s0 =	sor.u32 s3, s0;
	s1 =	sshll.u32 s1, $0x11  }
0xbf: {  	s0 =	sor.u32 s1, s0  }
0xc0: {  	s0 =	sadd.s32 $0x8F2B, s0  }
0xc1: {  	[sflag:s0] =	ssyncadd.remote.s32 $0x1  }
0xc2: {  	_ =	sfence.sel $0xFFFF  }
0xc3: {  	[dreg:$0x0] =	wrdreg $0xFFFFFFFF;
	(pc) =	sbr.abs _section_cstart, $3  }
0xc4: {  	[dreg:$0x1] =	wrdreg $0xFFFFFFFF  }
0xc5: {  	_ =	task.clear_ibuf [dreg:s9], $0x2FFFF;
	_ =	strace $0x9FFFFFFF  }
0xc6: {  	(tm) =	ssettm $0x7FFFFFFF  }
0xc7: {  	_ =	shalt  }
tec
execute0_lowered:
.L_overlay_start_1:
0x0: {  	(tag) =	ssettag $0x1  }
0x1: {  	s0 =	rddreg [dreg:$0x0]  }
0x2: {  	s1 =	rddreg [dreg:$0x1]  }
0x3: {  	s5 =	rddreg [dreg:$0x2]  }
0x4: {  	s9 =	rddreg [dreg:$0x3]  }
0x5: {  	s3 =	srdreg.scid;
	s2 =	simm.s32 $0x0;
	s4 =	stileid.u32  }
0x6: {  	s12 =	simm.s32 $0x80;
	s13 =	simm.s32 $0x1000;
	s14 =	simm.s32 $0x100  }
0x7: {  	s17 =	simm.s32 $0x5A00;
	s19 =	simm.s32 $0x1;
	s29 =	simm.s32 $0x1600  }
0x8: {  	s30 =	simm.s32 $0x1680;
	s31 =	simm.s32 $0x1700;
	s15 =	simm.s32 $0x1880  }
0x9: {  	s16 =	simm.s32 $0x1900;
	s18 =	simm.s32 $0x1980;
	s20 =	simm.s32 $0x7A40  }
0xa: {  	s21 =	simm.s32 $0x7AC0;
	s22 =	simm.s32 $0x7B40;
	s23 =	simm.s32 $0x0  }
0xb: {  	s3 =	sand.u32 $0x1, s3;
	[smem:$0x7FF] =	sst s2;
	s4 =	sshll.u32 s4, $0x5  }
0xc: {  	vm0 =	vcmask $0x3F3C;
	s6 =	sshll.u32 s3, $0x4;
	_ =	strace $0x80000047;
	s28 =	ssub.s32 $0x2, s3  }
0xd: {  	s3 =	sadd.s32 $0x30F800, s5;
	s10 =	sor.u32 s6, s4;
	s7 =	sshrl.u32 s28, $0x1  }
0xe: {  	s4 =	sadd.s32 $0x24C200, s5;
	s8 =	sadd.s32 s10, s5;
	s5 =	sadd.s32 $0x188C00, s5  }
0xf: {  	s11 =	ssub.s32 s28, s7;
	s6 =	sadd.s32 s0, s10;
	s7 =	sadd.s32 s1, s10  }
0x10: {  	s9 =	sadd.s32 s9, s10;
	s0 =	simm.s32 $0x1780;
	s1 =	simm.s32 $0x1800  }
0x11: {  	v0 =	vimm.f32 $0.0e+00;
	s8 =	sadd.s32 $0x2200, s8;
	s10 =	smax.u32 s11, $0x1;
	s11 =	simm.s32 $0x2  }
.LBB2_1:
0x12: {  	[tilespmem:s2], [sflag:$0x2] =	stream.linear.gather [hbm4b:s6+s2], $0x80, $0x38;
	[tilespmem:$0x7BC0] =	vst v63  }
0x13: {  	_ =	swait.ge [sflag:s11], $0x80  }
0x14: {  	[sflag:s11] =	ssyncset.done $0x0  }
0x15: {  	[sflag:s11] =	ssyncadd.s32 $0xFFFFFF80  }
0x16: {  	[tilespmem:s12], [sflag:$0x2] =	stream.linear.gather [hbm4b:s7+s2], $0x80, $0x38;
	[tilespmem:$0x7BC0] =	vst v63  }
0x17: {  	_ =	swait.ge [sflag:s11], $0x80  }
0x18: {  	[sflag:s11] =	ssyncset.done $0x0  }
0x19: {  	[sflag:s11] =	ssyncadd.s32 $0xFFFFFF80  }
0x1a: {  	[tilespmem:s14], [sflag:$0x2] =	stream.strided.gather [hbm4b:s8+s12], $0x1900, s13, s12, $0x38;
	[tilespmem:$0x7BC0] =	vst v63  }
0x1b: {  	_ =	swait.ge [sflag:s11], $0x1900  }
0x1c: {  	[sflag:s11] =	ssyncset.done $0x0  }
0x1d: {  	s24 =	simm.s32 $0x1A00;
	[sflag:s11] =	ssyncadd.s32 $0xFFFFE700  }
0x1e: {  	[tilespmem:s24], [sflag:$0x1] =	stream.indirect.gather [hbm4b:s3+s12], $0x40, s2, s12, $0xb8;
	[tilespmem:$0x7BC0] =	vst v63  }
0x1f: {  	s26 =	simm.s32 $0x3A00  }
0x20: {  	[tilespmem:s26], [sflag:$0x1] =	stream.indirect.gather [hbm4b:s4+s12], $0x40, s12, s12, $0xb8;
	[tilespmem:$0x7BC0] =	vst v63  }
0x21: {  	_ = 	snop  }
0x22: {  	[tilespmem:s17], [sflag:$0x1] =	stream.indirect.gather [hbm4b:s5+s12], $0x40, s14, s12, $0xb8;
	[tilespmem:$0x7BC0] =	vst v63  }
0x23: {  	s28 =	simm.s32 $0x7A00  }
0x24: {  	[tilespmem:s28], [sflag:$0x2] =	stream.linear.gather [hbm4b:s5+s2], $0x40, $0x38;
	[tilespmem:$0x7BC0] =	vst v63  }
0x25: {  	_ =	swait.ge [sflag:s11], $0x40  }
0x26: {  	[sflag:s11] =	ssyncset.done $0x0  }
0x27: {  	s25 =	simm.s32 $0x0;
	[sflag:s11] =	ssyncadd.s32 $0xFFFFFFC0  }
0x28: {  	v2 =	vld [tilespmem:s25+$0x100]  }
0x29: {  	v1 =	vimm.f32 $0.0e+00;
	s24 =	simm.s32 $0x200  }
.LBB2_2:
0x2a: {  	p0 =	sne.s32 s24, $0x6200  }
.Ltmp0:
0x2b: {  	_ = 	snop;
	(pc) =	sbr.rel @p0 .LBB2_2-.Ltmp0, $4  }
0x2c: {  	_ = 	snop  }
0x2d: {  	s25 =	sshra.s32 s24, $0x2;
	s24 =	sadd.s32 $0x200, s24;
	vm1 =	veq.s32 v2, $0x0  }
0x2e: {  	v2 =	vld [tilespmem:s25+$0x100];
	v3 =	vsel vm1, $0x3F800000, v0  }
0x2f: {  	v1 =	vadd.f32 v3, v1  }
0x30: {  	_ =	sdelay $0x2  }
0x31: {  	vm1 =	veq.s32 v2, $0x0  }
0x32: {  	v2 =	vsel vm1, $0x3F800000, v0  }
0x33: {  	v1 =	vadd.f32 v2, v1;
	_ =	sdelay $0x1  }
0x34: {  	v2 =	vsub.f32 $5.000000000e+01, v1;
	_ =	sdelay $0x1  }
0x35: {  	v2 =	vmax.f32 v2, $1.000000000e+00  }
0x36: {  	(erf) = vrcp.f32 v2;
	_ =	sdelay $0x8  }
0x37: {  	[tilespmem:$0x7A40] =	vst v1;
	v1 =	vpop (erf)  }
0x38: {  	s25 =	simm.s32 $0x10;
	[tilespmem:$0x7AC0] =	vst v1  }
0x39: {  	v2 =	vld [tilespmem:s25+$0x100]  }
0x3a: {  	s24 =	simm.s32 $0x240;
	v1 =	vimm.f32 $0.0e+00  }
.LBB2_4:
0x3b: {  	p0 =	sne.s32 s24, $0x6240  }
.Ltmp1:
0x3c: {  	_ = 	snop;
	(pc) =	sbr.rel @p0 .LBB2_4-.Ltmp1, $4  }
0x3d: {  	_ = 	snop  }
0x3e: {  	s25 =	sshra.s32 s24, $0x2;
	s24 =	sadd.s32 $0x200, s24;
	vm1 =	veq.s32 v2, $0x0  }
0x3f: {  	v2 =	vld [tilespmem:s25+$0x100];
	v3 =	vsel vm1, $0x3F800000, v0  }
0x40: {  	v1 =	vadd.f32 v3, v1  }
0x41: {  	_ =	sdelay $0x2  }
0x42: {  	vm1 =	veq.s32 v2, $0x0  }
0x43: {  	v2 =	vsel vm1, $0x3F800000, v0  }
0x44: {  	v1 =	vadd.f32 v2, v1;
	_ =	sdelay $0x1  }
0x45: {  	v2 =	vsub.f32 $5.000000000e+01, v1;
	_ =	sdelay $0x1  }
0x46: {  	v2 =	vmax.f32 v2, $1.000000000e+00  }
0x47: {  	(erf) = vrcp.f32 v2;
	_ =	sdelay $0x8  }
0x48: {  	[tilespmem:$0x7A50] =	vst v1;
	v1 =	vpop (erf)  }
0x49: {  	s25 =	simm.s32 $0x20;
	[tilespmem:$0x7AD0] =	vst v1  }
0x4a: {  	v2 =	vld [tilespmem:s25+$0x100]  }
0x4b: {  	s24 =	simm.s32 $0x280;
	v1 =	vimm.f32 $0.0e+00  }
.LBB2_6:
0x4c: {  	p0 =	sne.s32 s24, $0x6280  }
.Ltmp2:
0x4d: {  	_ = 	snop;
	(pc) =	sbr.rel @p0 .LBB2_6-.Ltmp2, $4  }
0x4e: {  	_ = 	snop  }
0x4f: {  	s25 =	sshra.s32 s24, $0x2;
	s24 =	sadd.s32 $0x200, s24;
	vm1 =	veq.s32 v2, $0x0  }
0x50: {  	v2 =	vld [tilespmem:s25+$0x100];
	v3 =	vsel vm1, $0x3F800000, v0  }
0x51: {  	v1 =	vadd.f32 v3, v1  }
0x52: {  	_ =	sdelay $0x2  }
0x53: {  	vm1 =	veq.s32 v2, $0x0  }
0x54: {  	v2 =	vsel vm1, $0x3F800000, v0  }
0x55: {  	v1 =	vadd.f32 v2, v1;
	_ =	sdelay $0x1  }
0x56: {  	v2 =	vsub.f32 $5.000000000e+01, v1;
	_ =	sdelay $0x1  }
0x57: {  	v2 =	vmax.f32 v2, $1.000000000e+00  }
0x58: {  	(erf) = vrcp.f32 v2;
	_ =	sdelay $0x8  }
0x59: {  	[tilespmem:$0x7A60] =	vst v1;
	v1 =	vpop (erf)  }
0x5a: {  	s25 =	simm.s32 $0x30;
	[tilespmem:$0x7AE0] =	vst v1  }
0x5b: {  	v2 =	vld [tilespmem:s25+$0x100]  }
0x5c: {  	s24 =	simm.s32 $0x2C0;
	v1 =	vimm.f32 $0.0e+00  }
.LBB2_8:
0x5d: {  	p0 =	sne.s32 s24, $0x62C0  }
.Ltmp3:
0x5e: {  	_ = 	snop;
	(pc) =	sbr.rel @p0 .LBB2_8-.Ltmp3, $4  }
0x5f: {  	_ = 	snop  }
0x60: {  	s25 =	sshra.s32 s24, $0x2;
	s24 =	sadd.s32 $0x200, s24;
	vm1 =	veq.s32 v2, $0x0  }
0x61: {  	v2 =	vld [tilespmem:s25+$0x100];
	v3 =	vsel vm1, $0x3F800000, v0  }
0x62: {  	v1 =	vadd.f32 v3, v1  }
0x63: {  	_ =	sdelay $0x2  }
0x64: {  	vm1 =	veq.s32 v2, $0x0  }
0x65: {  	v2 =	vsel vm1, $0x3F800000, v0  }
0x66: {  	v1 =	vadd.f32 v2, v1;
	_ =	sdelay $0x1  }
0x67: {  	v2 =	vsub.f32 $5.000000000e+01, v1;
	_ =	sdelay $0x1  }
0x68: {  	v2 =	vmax.f32 v2, $1.000000000e+00  }
0x69: {  	(erf) = vrcp.f32 v2;
	_ =	sdelay $0x8  }
0x6a: {  	[tilespmem:$0x7A70] =	vst v1;
	v1 =	vpop (erf)  }
0x6b: {  	s25 =	simm.s32 $0x40;
	[tilespmem:$0x7AF0] =	vst v1  }
0x6c: {  	v2 =	vld [tilespmem:s25+$0x100]  }
0x6d: {  	s24 =	simm.s32 $0x300;
	v1 =	vimm.f32 $0.0e+00  }
.LBB2_10:
0x6e: {  	p0 =	sne.s32 s24, $0x6300  }
.Ltmp4:
0x6f: {  	_ = 	snop;
	(pc) =	sbr.rel @p0 .LBB2_10-.Ltmp4, $4  }
0x70: {  	_ = 	snop  }
0x71: {  	s25 =	sshra.s32 s24, $0x2;
	s24 =	sadd.s32 $0x200, s24;
	vm1 =	veq.s32 v2, $0x0  }
0x72: {  	v2 =	vld [tilespmem:s25+$0x100];
	v3 =	vsel vm1, $0x3F800000, v0  }
0x73: {  	v1 =	vadd.f32 v3, v1  }
0x74: {  	_ =	sdelay $0x2  }
0x75: {  	vm1 =	veq.s32 v2, $0x0  }
0x76: {  	v2 =	vsel vm1, $0x3F800000, v0  }
0x77: {  	v1 =	vadd.f32 v2, v1;
	_ =	sdelay $0x1  }
0x78: {  	v2 =	vsub.f32 $5.000000000e+01, v1;
	_ =	sdelay $0x1  }
0x79: {  	v2 =	vmax.f32 v2, $1.000000000e+00  }
0x7a: {  	(erf) = vrcp.f32 v2;
	_ =	sdelay $0x8  }
0x7b: {  	[tilespmem:$0x7A80] =	vst v1;
	v1 =	vpop (erf)  }
0x7c: {  	s25 =	simm.s32 $0x50;
	[tilespmem:$0x7B00] =	vst v1  }
0x7d: {  	v2 =	vld [tilespmem:s25+$0x100]  }
0x7e: {  	s24 =	simm.s32 $0x340;
	v1 =	vimm.f32 $0.0e+00  }
.LBB2_12:
0x7f: {  	p0 =	sne.s32 s24, $0x6340  }
.Ltmp5:
0x80: {  	_ = 	snop;
	(pc) =	sbr.rel @p0 .LBB2_12-.Ltmp5, $4  }
0x81: {  	_ = 	snop  }
0x82: {  	s25 =	sshra.s32 s24, $0x2;
	s24 =	sadd.s32 $0x200, s24;
	vm1 =	veq.s32 v2, $0x0  }
0x83: {  	v2 =	vld [tilespmem:s25+$0x100];
	v3 =	vsel vm1, $0x3F800000, v0  }
0x84: {  	v1 =	vadd.f32 v3, v1  }
0x85: {  	_ =	sdelay $0x2  }
0x86: {  	vm1 =	veq.s32 v2, $0x0  }
0x87: {  	v2 =	vsel vm1, $0x3F800000, v0  }
0x88: {  	v1 =	vadd.f32 v2, v1;
	_ =	sdelay $0x1  }
0x89: {  	v2 =	vsub.f32 $5.000000000e+01, v1;
	_ =	sdelay $0x1  }
0x8a: {  	v2 =	vmax.f32 v2, $1.000000000e+00  }
0x8b: {  	(erf) = vrcp.f32 v2;
	_ =	sdelay $0x8  }
0x8c: {  	[tilespmem:$0x7A90] =	vst v1;
	v1 =	vpop (erf)  }
0x8d: {  	s25 =	simm.s32 $0x60;
	[tilespmem:$0x7B10] =	vst v1  }
0x8e: {  	v2 =	vld [tilespmem:s25+$0x100]  }
0x8f: {  	s24 =	simm.s32 $0x380;
	v1 =	vimm.f32 $0.0e+00  }
.LBB2_14:
0x90: {  	p0 =	sne.s32 s24, $0x6380  }
.Ltmp6:
0x91: {  	_ = 	snop;
	(pc) =	sbr.rel @p0 .LBB2_14-.Ltmp6, $4  }
0x92: {  	_ = 	snop  }
0x93: {  	s25 =	sshra.s32 s24, $0x2;
	s24 =	sadd.s32 $0x200, s24;
	vm1 =	veq.s32 v2, $0x0  }
0x94: {  	v2 =	vld [tilespmem:s25+$0x100];
	v3 =	vsel vm1, $0x3F800000, v0  }
0x95: {  	v1 =	vadd.f32 v3, v1  }
0x96: {  	_ =	sdelay $0x2  }
0x97: {  	vm1 =	veq.s32 v2, $0x0  }
0x98: {  	v2 =	vsel vm1, $0x3F800000, v0  }
0x99: {  	v1 =	vadd.f32 v2, v1;
	_ =	sdelay $0x1  }
0x9a: {  	v2 =	vsub.f32 $5.000000000e+01, v1;
	_ =	sdelay $0x1  }
0x9b: {  	v2 =	vmax.f32 v2, $1.000000000e+00  }
0x9c: {  	(erf) = vrcp.f32 v2;
	_ =	sdelay $0x8  }
0x9d: {  	[tilespmem:$0x7AA0] =	vst v1;
	v1 =	vpop (erf)  }
0x9e: {  	s25 =	simm.s32 $0x70;
	[tilespmem:$0x7B20] =	vst v1  }
0x9f: {  	v2 =	vld [tilespmem:s25+$0x100]  }
0xa0: {  	s24 =	simm.s32 $0x3C0;
	v1 =	vimm.f32 $0.0e+00  }
.LBB2_16:
0xa1: {  	p0 =	sne.s32 s24, $0x63C0  }
.Ltmp7:
0xa2: {  	_ = 	snop;
	(pc) =	sbr.rel @p0 .LBB2_16-.Ltmp7, $4  }
0xa3: {  	_ = 	snop  }
0xa4: {  	s25 =	sshra.s32 s24, $0x2;
	s24 =	sadd.s32 $0x200, s24;
	vm1 =	veq.s32 v2, $0x0  }
0xa5: {  	v2 =	vld [tilespmem:s25+$0x100];
	v3 =	vsel vm1, $0x3F800000, v0  }
0xa6: {  	v1 =	vadd.f32 v3, v1  }
0xa7: {  	_ =	sdelay $0x2  }
0xa8: {  	vm1 =	veq.s32 v2, $0x0  }
0xa9: {  	v2 =	vsel vm1, $0x3F800000, v0  }
0xaa: {  	v1 =	vadd.f32 v2, v1;
	_ =	sdelay $0x1  }
0xab: {  	v2 =	vsub.f32 $5.000000000e+01, v1;
	_ =	sdelay $0x1  }
0xac: {  	v2 =	vmax.f32 v2, $1.000000000e+00  }
0xad: {  	(erf) = vrcp.f32 v2;
	_ =	sdelay $0x8  }
0xae: {  	[tilespmem:$0x7AB0] =	vst v1;
	v1 =	vpop (erf)  }
0xaf: {  	[tilespmem:$0x7B30] =	vst v1  }
0xb0: {  	_ =	swait.ge [sflag:s19], $0x2000  }
0xb1: {  	[sflag:s19] =	ssyncset.done $0x0  }
0xb2: {  	[sflag:s19] =	ssyncadd.s32 $0xFFFFE000  }
0xb3: {  	_ =	swait.ge [sflag:s19], $0x2000  }
0xb4: {  	[sflag:s19] =	ssyncset.done $0x0  }
0xb5: {  	[sflag:s19] =	ssyncadd.s32 $0xFFFFE000  }
0xb6: {  	_ =	swait.ge [sflag:s19], $0x2000  }
0xb7: {  	[sflag:s19] =	ssyncset.done $0x0  }
0xb8: {  	s24 =	simm.s32 $0x180;
	[sflag:s19] =	ssyncadd.s32 $0xFFFFE000  }
0xb9: {  	[tilespmem:s17], [sflag:$0x1] =	stream.indirect.gather.add.f32 [hbm:s5], $0x40, s24, s12, $0xb8;
	[tilespmem:$0x7BC0] =	vst v63  }
0xba: {  	s25 =	simm.s32 $0x200  }
0xbb: {  	[tilespmem:s17], [sflag:$0x1] =	stream.indirect.gather.add.f32 [hbm:s5], $0x40, s25, s12, $0xb8;
	[tilespmem:$0x7BC0] =	vst v63  }
0xbc: {  	s26 =	simm.s32 $0x280  }
0xbd: {  	[tilespmem:s17], [sflag:$0x1] =	stream.indirect.gather.add.f32 [hbm:s5], $0x40, s26, s12, $0xb8;
	[tilespmem:$0x7BC0] =	vst v63  }
0xbe: {  	s28 =	simm.s32 $0x300  }
0xbf: {  	[tilespmem:s17], [sflag:$0x1] =	stream.indirect.gather.add.f32 [hbm:s5], $0x40, s28, s12, $0xb8;
	[tilespmem:$0x7BC0] =	vst v63  }
0xc0: {  	s25 =	simm.s32 $0x380  }
0xc1: {  	[tilespmem:s17], [sflag:$0x1] =	stream.indirect.gather.add.f32 [hbm:s5], $0x40, s25, s12, $0xb8;
	[tilespmem:$0x7BC0] =	vst v63  }
0xc2: {  	s26 =	simm.s32 $0x400  }
0xc3: {  	[tilespmem:s17], [sflag:$0x1] =	stream.indirect.gather.add.f32 [hbm:s5], $0x40, s26, s12, $0xb8;
	[tilespmem:$0x7BC0] =	vst v63  }
0xc4: {  	s28 =	simm.s32 $0x480  }
0xc5: {  	[tilespmem:s17], [sflag:$0x1] =	stream.indirect.gather.add.f32 [hbm:s5], $0x40, s28, s12, $0xb8;
	[tilespmem:$0x7BC0] =	vst v63  }
0xc6: {  	s25 =	simm.s32 $0x500  }
0xc7: {  	[tilespmem:s17], [sflag:$0x1] =	stream.indirect.gather.add.f32 [hbm:s5], $0x40, s25, s12, $0xb8;
	[tilespmem:$0x7BC0] =	vst v63  }
0xc8: {  	s26 =	simm.s32 $0x580  }
0xc9: {  	[tilespmem:s17], [sflag:$0x1] =	stream.indirect.gather.add.f32 [hbm:s5], $0x40, s26, s12, $0xb8;
	[tilespmem:$0x7BC0] =	vst v63  }
0xca: {  	s28 =	simm.s32 $0x600  }
0xcb: {  	[tilespmem:s17], [sflag:$0x1] =	stream.indirect.gather.add.f32 [hbm:s5], $0x40, s28, s12, $0xb8;
	[tilespmem:$0x7BC0] =	vst v63  }
0xcc: {  	s25 =	simm.s32 $0x680  }
0xcd: {  	[tilespmem:s17], [sflag:$0x1] =	stream.indirect.gather.add.f32 [hbm:s5], $0x40, s25, s12, $0xb8;
	[tilespmem:$0x7BC0] =	vst v63  }
0xce: {  	s26 =	simm.s32 $0x700  }
0xcf: {  	[tilespmem:s17], [sflag:$0x1] =	stream.indirect.gather.add.f32 [hbm:s5], $0x40, s26, s12, $0xb8;
	[tilespmem:$0x7BC0] =	vst v63  }
0xd0: {  	s28 =	simm.s32 $0x780  }
0xd1: {  	[tilespmem:s17], [sflag:$0x1] =	stream.indirect.gather.add.f32 [hbm:s5], $0x40, s28, s12, $0xb8;
	[tilespmem:$0x7BC0] =	vst v63  }
0xd2: {  	s25 =	simm.s32 $0x800  }
0xd3: {  	[tilespmem:s17], [sflag:$0x1] =	stream.indirect.gather.add.f32 [hbm:s5], $0x40, s25, s12, $0xb8;
	[tilespmem:$0x7BC0] =	vst v63  }
0xd4: {  	s26 =	simm.s32 $0x880  }
0xd5: {  	[tilespmem:s17], [sflag:$0x1] =	stream.indirect.gather.add.f32 [hbm:s5], $0x40, s26, s12, $0xb8;
	[tilespmem:$0x7BC0] =	vst v63  }
0xd6: {  	s28 =	simm.s32 $0x900  }
0xd7: {  	[tilespmem:s17], [sflag:$0x1] =	stream.indirect.gather.add.f32 [hbm:s5], $0x40, s28, s12, $0xb8;
	[tilespmem:$0x7BC0] =	vst v63  }
0xd8: {  	s25 =	simm.s32 $0x980  }
0xd9: {  	[tilespmem:s17], [sflag:$0x1] =	stream.indirect.gather.add.f32 [hbm:s5], $0x40, s25, s12, $0xb8;
	[tilespmem:$0x7BC0] =	vst v63  }
0xda: {  	s26 =	simm.s32 $0xA00  }
0xdb: {  	[tilespmem:s17], [sflag:$0x1] =	stream.indirect.gather.add.f32 [hbm:s5], $0x40, s26, s12, $0xb8;
	[tilespmem:$0x7BC0] =	vst v63  }
0xdc: {  	s28 =	simm.s32 $0xA80  }
0xdd: {  	[tilespmem:s17], [sflag:$0x1] =	stream.indirect.gather.add.f32 [hbm:s5], $0x40, s28, s12, $0xb8;
	[tilespmem:$0x7BC0] =	vst v63  }
0xde: {  	s25 =	simm.s32 $0xB00  }
0xdf: {  	[tilespmem:s17], [sflag:$0x1] =	stream.indirect.gather.add.f32 [hbm:s5], $0x40, s25, s12, $0xb8;
	[tilespmem:$0x7BC0] =	vst v63  }
0xe0: {  	s26 =	simm.s32 $0xB80  }
0xe1: {  	[tilespmem:s17], [sflag:$0x1] =	stream.indirect.gather.add.f32 [hbm:s5], $0x40, s26, s12, $0xb8;
	[tilespmem:$0x7BC0] =	vst v63  }
0xe2: {  	s28 =	simm.s32 $0xC00  }
0xe3: {  	[tilespmem:s17], [sflag:$0x1] =	stream.indirect.gather.add.f32 [hbm:s5], $0x40, s28, s12, $0xb8;
	[tilespmem:$0x7BC0] =	vst v63  }
0xe4: {  	s25 =	simm.s32 $0xC80  }
0xe5: {  	[tilespmem:s17], [sflag:$0x1] =	stream.indirect.gather.add.f32 [hbm:s5], $0x40, s25, s12, $0xb8;
	[tilespmem:$0x7BC0] =	vst v63  }
0xe6: {  	s26 =	simm.s32 $0xD00  }
0xe7: {  	[tilespmem:s17], [sflag:$0x1] =	stream.indirect.gather.add.f32 [hbm:s5], $0x40, s26, s12, $0xb8;
	[tilespmem:$0x7BC0] =	vst v63  }
0xe8: {  	s28 =	simm.s32 $0xD80  }
0xe9: {  	[tilespmem:s17], [sflag:$0x1] =	stream.indirect.gather.add.f32 [hbm:s5], $0x40, s28, s12, $0xb8;
	[tilespmem:$0x7BC0] =	vst v63  }
0xea: {  	s25 =	simm.s32 $0xE00  }
0xeb: {  	[tilespmem:s17], [sflag:$0x1] =	stream.indirect.gather.add.f32 [hbm:s5], $0x40, s25, s12, $0xb8;
	[tilespmem:$0x7BC0] =	vst v63  }
0xec: {  	s26 =	simm.s32 $0xE80  }
0xed: {  	[tilespmem:s17], [sflag:$0x1] =	stream.indirect.gather.add.f32 [hbm:s5], $0x40, s26, s12, $0xb8;
	[tilespmem:$0x7BC0] =	vst v63  }
0xee: {  	s28 =	simm.s32 $0xF00  }
0xef: {  	[tilespmem:s17], [sflag:$0x1] =	stream.indirect.gather.add.f32 [hbm:s5], $0x40, s28, s12, $0xb8;
	[tilespmem:$0x7BC0] =	vst v63  }
0xf0: {  	s25 =	simm.s32 $0xF80  }
0xf1: {  	[tilespmem:s17], [sflag:$0x1] =	stream.indirect.gather.add.f32 [hbm:s5], $0x40, s25, s12, $0xb8;
	[tilespmem:$0x7BC0] =	vst v63  }
0xf2: {  	_ = 	snop  }
0xf3: {  	[tilespmem:s17], [sflag:$0x1] =	stream.indirect.gather.add.f32 [hbm:s5], $0x40, s13, s12, $0xb8;
	[tilespmem:$0x7BC0] =	vst v63  }
0xf4: {  	s26 =	simm.s32 $0x1080  }
0xf5: {  	[tilespmem:s17], [sflag:$0x1] =	stream.indirect.gather.add.f32 [hbm:s5], $0x40, s26, s12, $0xb8;
	[tilespmem:$0x7BC0] =	vst v63  }
0xf6: {  	s28 =	simm.s32 $0x1100  }
0xf7: {  	[tilespmem:s17], [sflag:$0x1] =	stream.indirect.gather.add.f32 [hbm:s5], $0x40, s28, s12, $0xb8;
	[tilespmem:$0x7BC0] =	vst v63  }
0xf8: {  	s25 =	simm.s32 $0x1180  }
0xf9: {  	[tilespmem:s17], [sflag:$0x1] =	stream.indirect.gather.add.f32 [hbm:s5], $0x40, s25, s12, $0xb8;
	[tilespmem:$0x7BC0] =	vst v63  }
0xfa: {  	s26 =	simm.s32 $0x1200  }
0xfb: {  	[tilespmem:s17], [sflag:$0x1] =	stream.indirect.gather.add.f32 [hbm:s5], $0x40, s26, s12, $0xb8;
	[tilespmem:$0x7BC0] =	vst v63  }
0xfc: {  	s28 =	simm.s32 $0x1280  }
0xfd: {  	[tilespmem:s17], [sflag:$0x1] =	stream.indirect.gather.add.f32 [hbm:s5], $0x40, s28, s12, $0xb8;
	[tilespmem:$0x7BC0] =	vst v63  }
0xfe: {  	s25 =	simm.s32 $0x1300  }
0xff: {  	[tilespmem:s17], [sflag:$0x1] =	stream.indirect.gather.add.f32 [hbm:s5], $0x40, s25, s12, $0xb8;
	[tilespmem:$0x7BC0] =	vst v63  }
0x100: {  	s26 =	simm.s32 $0x1380  }
0x101: {  	[tilespmem:s17], [sflag:$0x1] =	stream.indirect.gather.add.f32 [hbm:s5], $0x40, s26, s12, $0xb8;
	[tilespmem:$0x7BC0] =	vst v63  }
0x102: {  	s28 =	simm.s32 $0x1400  }
0x103: {  	[tilespmem:s17], [sflag:$0x1] =	stream.indirect.gather.add.f32 [hbm:s5], $0x40, s28, s12, $0xb8;
	[tilespmem:$0x7BC0] =	vst v63  }
0x104: {  	s25 =	simm.s32 $0x1480  }
0x105: {  	[tilespmem:s17], [sflag:$0x1] =	stream.indirect.gather.add.f32 [hbm:s5], $0x40, s25, s12, $0xb8;
	[tilespmem:$0x7BC0] =	vst v63  }
0x106: {  	s26 =	simm.s32 $0x1500  }
0x107: {  	[tilespmem:s17], [sflag:$0x1] =	stream.indirect.gather.add.f32 [hbm:s5], $0x40, s26, s12, $0xb8;
	[tilespmem:$0x7BC0] =	vst v63  }
0x108: {  	s28 =	simm.s32 $0x1580  }
0x109: {  	[tilespmem:s17], [sflag:$0x1] =	stream.indirect.gather.add.f32 [hbm:s5], $0x40, s28, s12, $0xb8;
	[tilespmem:$0x7BC0] =	vst v63  }
0x10a: {  	_ = 	snop  }
0x10b: {  	[tilespmem:s17], [sflag:$0x1] =	stream.indirect.gather.add.f32 [hbm:s5], $0x40, s29, s12, $0xb8;
	[tilespmem:$0x7BC0] =	vst v63  }
0x10c: {  	_ = 	snop  }
0x10d: {  	[tilespmem:s17], [sflag:$0x1] =	stream.indirect.gather.add.f32 [hbm:s5], $0x40, s30, s12, $0xb8;
	[tilespmem:$0x7BC0] =	vst v63  }
0x10e: {  	_ = 	snop  }
0x10f: {  	[tilespmem:s17], [sflag:$0x1] =	stream.indirect.gather.add.f32 [hbm:s5], $0x40, s31, s12, $0xb8;
	[tilespmem:$0x7BC0] =	vst v63  }
0x110: {  	_ = 	snop  }
0x111: {  	[tilespmem:s17], [sflag:$0x1] =	stream.indirect.gather.add.f32 [hbm:s5], $0x40, s0, s12, $0xb8;
	[tilespmem:$0x7BC0] =	vst v63  }
0x112: {  	_ = 	snop  }
0x113: {  	[tilespmem:s17], [sflag:$0x1] =	stream.indirect.gather.add.f32 [hbm:s5], $0x40, s1, s12, $0xb8;
	[tilespmem:$0x7BC0] =	vst v63  }
0x114: {  	_ = 	snop  }
0x115: {  	[tilespmem:s17], [sflag:$0x1] =	stream.indirect.gather.add.f32 [hbm:s5], $0x40, s15, s12, $0xb8;
	[tilespmem:$0x7BC0] =	vst v63  }
0x116: {  	_ = 	snop  }
0x117: {  	[tilespmem:s17], [sflag:$0x1] =	stream.indirect.gather.add.f32 [hbm:s5], $0x40, s16, s12, $0xb8;
	[tilespmem:$0x7BC0] =	vst v63  }
0x118: {  	s24 =	simm.s32 $0x31  }
0x119: {  	[tilespmem:s17], [sflag:$0x1] =	stream.indirect.gather.add.f32 [hbm:s5], $0x40, s18, s12, $0xb8;
	[tilespmem:$0x7BC0] =	vst v63  }
.LBB2_18:
0x11a: {  	p0 =	sne.s32 s24, $0x1  }
.Ltmp8:
0x11b: {  	_ = 	snop;
	(pc) =	sbr.rel @p0 .LBB2_18-.Ltmp8, $4  }
0x11c: {  	_ = 	snop  }
0x11d: {  	_ =	swait.ge [sflag:s19], $0x2000  }
0x11e: {  	[sflag:s19] =	ssyncset.done $0x0  }
0x11f: {  	s24 =	sadd.s32 $0xFFFFFFFF, s24;
	[sflag:s19] =	ssyncadd.s32 $0xFFFFE000  }
0x120: {  	s24 =	simm.s32 $0x0  }
0x121: {  	v1 =	vmov s24  }
0x122: {  	v6 =	vld [tilespmem:$0x7A00]  }
0x123: {  	v8 =	vld [tilespmem:$0x7A10]  }
0x124: {  	v10 =	vld [tilespmem:$0x7A20]  }
0x125: {  	v11 =	vld [tilespmem:$0x7A30]  }
0x126: {  	s26 =	simm.s32 $0x1A20;
	v5 =	vld.idx.msk [tilespmem:v1+s20+$0x0], $0xffff  }
0x127: {  	s25 =	simm.s32 $0x5A20;
	v2 =	vld [tilespmem:s26+$0xFFFFFFE0]  }
0x128: {  	v7 =	vld [tilespmem:s25+$0xFFFFFFE0]  }
0x129: {  	v4 =	vld [tilespmem:s25+$0xFFFFFFF0]  }
0x12a: {  	v9 =	vld.idx.msk [tilespmem:v1+s21+$0x0], $0xffff  }
0x12b: {  	s24 =	simm.s32 $0x3A20;
	v12 =	vld [tilespmem:s25+$0x0];
	v6 =	vmul.f32 v6, v5  }
0x12c: {  	v3 =	vld [tilespmem:s24+$0xFFFFFFE0]  }
0x12d: {  	v58 =	vld [tilespmem:s25+$0x10];
	v57 =	vmul.f32 v8, v5;
	v6 =	vsub.f32 v7, v6  }
0x12e: {  	v13 =	vld [tilespmem:s24+$0xFFFFFFF0]  }
0x12f: {  	v59 =	vld [tilespmem:s26+$0xFFFFFFF0];
	v10 =	vmul.f32 v10, v5;
	v4 =	vsub.f32 v4, v57;
	v6 =	vmul.f32 v6, v9  }
0x130: {  	v14 =	vld [tilespmem:s24+$0x0];
	v5 =	vmul.f32 v11, v5  }
0x131: {  	v61 =	vld [tilespmem:s26+$0x0];
	v60 =	vsub.f32 v12, v10;
	v4 =	vmul.f32 v4, v9;
	v3 =	vadd.f32 v6, v3  }
0x132: {  	v62 =	vld [tilespmem:s24+$0x10];
	v5 =	vsub.f32 v58, v5  }
0x133: {  	v2 =	vmul.f32 v3, v2;
	v3 =	vadd.f32 v4, v13;
	v4 =	vmul.f32 v60, v9  }
0x134: {  	v63 =	vld [tilespmem:s26+$0x10];
	v5 =	vmul.f32 v5, v9  }
0x135: {  	v2 =	vadd.f32 $0.0e+00, v2;
	v3 =	vmul.f32 v3, v59;
	v4 =	vadd.f32 v4, v14;
	_ =	sdelay $0x1  }
0x136: {  	v2 =	vadd.f32 v3, v2;
	v3 =	vmul.f32 v4, v61;
	v4 =	vadd.f32 v5, v62;
	_ =	sdelay $0x1  }
0x137: {  	v2 =	vadd.f32 v3, v2;
	v3 =	vmul.f32 v4, v63;
	_ =	sdelay $0x1  }
0x138: {  	v2 =	vadd.f32 v3, v2;
	_ =	sdelay $0x1  }
0x139: {  	(xrf2) =	vadd.scan.msk.f32 $0xffff, v2;
	_ =	sdelay $0x8  }
0x13a: {  	s28 =	simm.s32 $0x1  }
0x13b: {  	v2 =	vmov s28;
	s28 =	simm.s32 $0x2;
	v3, _, _ =	vpop (xrf2)  }
.LBB2_20:
0x13c: {  	p0 =	sne.s32 s28, $0x7F;
	[tilespmem:v1+s22+$0x0] =	vst.idx.msk vm0, v3;
	s26 =	sadd.s32 $0x40, s26;
	v1 =	vmov v2  }
0x13d: {  	s24 =	sadd.s32 $0x40, s24;
	v3 =	vld [tilespmem:s26+$0xFFFFFFE0]  }
0x13e: {  	s25 =	sadd.s32 $0x40, s25;
	v4 =	vld [tilespmem:s24+$0xFFFFFFE0]  }
0x13f: {  	v5 =	vld [tilespmem:s25+$0xFFFFFFF0]  }
0x140: {  	v2 =	vld.idx.msk [tilespmem:v2+s20+$0x0], $0xffff  }
0x141: {  	v6 =	vld [tilespmem:$0x7A00]  }
0x142: {  	v7 =	vld [tilespmem:s25+$0xFFFFFFE0]  }
0x143: {  	v8 =	vld [tilespmem:$0x7A10]  }
0x144: {  	v9 =	vld.idx.msk [tilespmem:v1+s21+$0x0], $0xffff  }
0x145: {  	v10 =	vld [tilespmem:$0x7A20]  }
0x146: {  	v6 =	vmul.f32 v6, v2;
	v11 =	vld [tilespmem:$0x7A30]  }
0x147: {  	v12 =	vld [tilespmem:s25+$0x0]  }
0x148: {  	v6 =	vsub.f32 v7, v6;
	v7 =	vmul.f32 v8, v2;
	v8 =	vld [tilespmem:s25+$0x10]  }
0x149: {  	v13 =	vld [tilespmem:s24+$0xFFFFFFF0]  }
0x14a: {  	v6 =	vmul.f32 v6, v9;
	v5 =	vsub.f32 v5, v7;
	v7 =	vld [tilespmem:s26+$0xFFFFFFF0];
	v10 =	vmul.f32 v10, v2  }
0x14b: {  	v14 =	vld [tilespmem:s24+$0x0];
	v2 =	vmul.f32 v11, v2  }
0x14c: {  	v4 =	vadd.f32 v6, v4;
	v5 =	vmul.f32 v5, v9;
	v6 =	vsub.f32 v12, v10;
	v10 =	vld [tilespmem:s26+$0x0]  }
0x14d: {  	v2 =	vsub.f32 v8, v2;
	v8 =	vld [tilespmem:s24+$0x10]  }
0x14e: {  	v3 =	vmul.f32 v4, v3;
	v4 =	vadd.f32 v5, v13;
	v5 =	vmul.f32 v6, v9  }
0x14f: {  	v2 =	vmul.f32 v2, v9;
	v6 =	vld [tilespmem:s26+$0x10]  }
0x150: {  	v3 =	vadd.f32 $0.0e+00, v3;
	v4 =	vmul.f32 v4, v7;
	v5 =	vadd.f32 v5, v14;
	_ =	sdelay $0x1  }
0x151: {  	v3 =	vadd.f32 v4, v3;
	v4 =	vmul.f32 v5, v10;
	v2 =	vadd.f32 v2, v8;
	_ =	sdelay $0x1  }
0x152: {  	v3 =	vadd.f32 v4, v3;
	v2 =	vmul.f32 v2, v6;
	_ =	sdelay $0x1  }
0x153: {  	v2 =	vadd.f32 v2, v3;
	_ =	sdelay $0x1  }
0x154: {  	(xrf2) =	vadd.scan.msk.f32 $0xffff, v2;
	_ =	sdelay $0x5  }
.Ltmp9:
0x155: {  	(pc) =	sbr.rel @p0 .LBB2_20-.Ltmp9, $2  }
0x156: {  	_ =	sdelay $0x2  }
0x157: {  	v2 =	vmov s28;
	s28 =	sadd.s32 $0x1, s28;
	v3, _, _ =	vpop (xrf2)  }
0x158: {  	_ =	sdelay $0x4  }
0x159: {  	[tilespmem:v1+s22+$0x0] =	vst.idx.msk vm0, v3;
	s26 =	sadd.s32 $0x40, s26  }
0x15a: {  	s24 =	sadd.s32 $0x40, s24;
	v1 =	vld [tilespmem:s26+$0xFFFFFFE0]  }
0x15b: {  	s25 =	sadd.s32 $0x40, s25;
	v3 =	vld [tilespmem:s24+$0xFFFFFFE0]  }
0x15c: {  	v4 =	vld [tilespmem:s25+$0xFFFFFFF0]  }
0x15d: {  	v5 =	vld.idx.msk [tilespmem:v2+s20+$0x0], $0xffff  }
0x15e: {  	v6 =	vld [tilespmem:$0x7A00]  }
0x15f: {  	v7 =	vld [tilespmem:s25+$0xFFFFFFE0]  }
0x160: {  	v8 =	vld [tilespmem:$0x7A10]  }
0x161: {  	v9 =	vld.idx.msk [tilespmem:v2+s21+$0x0], $0xffff  }
0x162: {  	v10 =	vld [tilespmem:$0x7A20]  }
0x163: {  	v11 =	vld [tilespmem:$0x7A30];
	v6 =	vmul.f32 v6, v5  }
0x164: {  	v12 =	vld [tilespmem:s25+$0x0]  }
0x165: {  	v56 =	vld [tilespmem:s25+$0x10];
	v55 =	vmul.f32 v8, v5;
	v6 =	vsub.f32 v7, v6  }
0x166: {  	v13 =	vld [tilespmem:s24+$0xFFFFFFF0]  }
0x167: {  	v57 =	vld [tilespmem:s26+$0xFFFFFFF0];
	v10 =	vmul.f32 v10, v5;
	v4 =	vsub.f32 v4, v55;
	v6 =	vmul.f32 v6, v9  }
0x168: {  	v14 =	vld [tilespmem:s24+$0x0];
	v5 =	vmul.f32 v11, v5  }
0x169: {  	v59 =	vld [tilespmem:s26+$0x0];
	v58 =	vsub.f32 v12, v10;
	v4 =	vmul.f32 v4, v9;
	v3 =	vadd.f32 v6, v3  }
0x16a: {  	v60 =	vld [tilespmem:s24+$0x10];
	v5 =	vsub.f32 v56, v5  }
0x16b: {  	v61 =	vmul.f32 v58, v9;
	v1 =	vmul.f32 v3, v1;
	v3 =	vadd.f32 v4, v13  }
0x16c: {  	v62 =	vld [tilespmem:s26+$0x10];
	v5 =	vmul.f32 v5, v9  }
0x16d: {  	v4 =	vadd.f32 v61, v14;
	v1 =	vadd.f32 $0.0e+00, v1;
	v3 =	vmul.f32 v3, v57;
	_ =	sdelay $0x1  }
0x16e: {  	v63 =	vadd.f32 v5, v60;
	v1 =	vadd.f32 v3, v1;
	v3 =	vmul.f32 v4, v59;
	_ =	sdelay $0x1  }
0x16f: {  	v1 =	vadd.f32 v3, v1;
	v3 =	vmul.f32 v63, v62;
	_ =	sdelay $0x1  }
0x170: {  	v1 =	vadd.f32 v3, v1;
	_ =	sdelay $0x1  }
0x171: {  	(xrf2) =	vadd.scan.msk.f32 $0xffff, v1;
	_ =	sdelay $0x8  }
0x172: {  	s23 =	sadd.s32 $0x1, s23  }
0x173: {  	p0 =	sne.s32 s23, s10;
	v1, _, _ =	vpop (xrf2)  }
.Ltmp10:
0x174: {  	[tilespmem:v2+s22+$0x0] =	vst.idx.msk vm0, v1;
	(pc) =	sbr.rel @p0 .LBB2_1-.Ltmp10, $4  }
0x175: {  	[hbm4b:s9+s2] =	stream.linear.scatter [tilespmem:s22], [sflag:$0x2], $0x80, $0x38;
	[tilespmem:$0x7BC0] =	vst v63  }
0x176: {  	_ =	swait.ge [sflag:s11], $0x80  }
0x177: {  	[sflag:s11] =	ssyncset.done $0x0  }
0x178: {  	[sflag:s11] =	ssyncadd.s32 $0xFFFFFF80  }
0x179: {  	_ =	sfence.sel $0x180000  }
0x17a: {  	[bflag:$0x0] =	sbarrier.arrive $0xFFFF  }
0x17b: {  	_ =	strace $0x90000047  }
0x17c: {  	s0 =	stileid.u32;
	[bflag:$0x2] =	sbarrier.arrive $0xFFFF  }
0x17d: {  	p0 =	sne.s32 s0, $0x0;
	s0 =	rddreg [dreg:$0x4]  }
0x17e: {  	s0 =	sadd.s32 @!p0 $0x100000, s0  }
0x17f: {  	[sflag:s0] =	ssyncadd.tile.s32 @!p0 $0x1;
	_ =	shalt  }
.Lfunc_end2:
_tile_overlayer_lowered:
.L_overlay_start_2:
0x180: {  	(tag) =	ssettag $0x2  }
0x181: {  	s0 =	rddreg [dreg:$0x0];
	s2 =	stileid.u32  }
0x182: {  	s1 =	rddreg [dreg:$0x1];
	p0 =	sne.s32 s2, $0x0  }
0x183: {  	s3 =	rddreg [dreg:$0x2];
	[bflag:$0x3] =	sbarrier.arrive $0xFFFF;
	s2 =	simm.s32 @!p0 $0x1C02  }
0x184: {  	[timem:s3], [sflag:s2] =	dma.local @!p0 [hbm:s0], s1  }
0x185: {  	s0 =	simm.s32 @!p0 $0x2  }
0x186: {  	_ =	swait.ge @!p0 [sflag:s0], s1  }
0x187: {  	s1 =	ssub.s32 @!p0 $0x0, s1;
	[sflag:s0] =	ssyncset.done @!p0 $0x0  }
0x188: {  	[sflag:s0] =	ssyncadd.s32 @!p0 s1  }
0x189: {  	[bflag:$0x3] =	sbarrier.arrive $0xFFFF  }
0x18a: {  	_ =	shalt  }

</sc_bundles>
